<compile_context>
chip_gen: v7x
topology: tpu7x:2x2x1
jax: 0.10.2.dev20260603
libtpu: 0.0.44.dev20260713+nightly
codegen_flags: <defaults>
</compile_context>

<pallas_src>
import functools

import jax
import jax.numpy as jnp
from jax import lax
from jax.experimental import pallas as pl
from jax.experimental.pallas import tpu as pltpu
from jax.experimental.pallas import tpu_sc as plsc

N = 50000
E = 1600000
D = 33
DP = 40

NC = 2
NS = 16
NW = NC * NS
EW = E // NW
K = 40
NCHUNK = EW // K
SB = 10
SBK = SB * K
NSB = NCHUNK // SB
NB = 3
LG = 2
ZR = 3128


def _make_sc_scatter():
    mesh = plsc.VectorSubcoreMesh(core_axis_name="c", subcore_axis_name="s")

    @functools.partial(
        pl.kernel,
        out_type=jax.ShapeDtypeStruct((NC, N, DP), jnp.float32),
        mesh=mesh,
        compiler_params=pltpu.CompilerParams(use_tc_tiling_on_sc=False),
        scratch_types=[
            pltpu.VMEM((SB, K), jnp.int32),
            pltpu.VMEM((SB, K), jnp.int32),
            pltpu.VMEM((NB, K, DP), jnp.float32),
            pltpu.VMEM_SHARED((N, DP), jnp.float32),
            pltpu.SemaphoreType.DMA,
        ] + [pltpu.SemaphoreType.DMA] * (2 * NB),
    )
    def sc_scatter(state_hbm, ei_hbm, zeros_hbm, out_hbm,
                   idx_s, idx_d, rows, acc, semi, *sems):
        semg = sems[:NB]
        sems_ = sems[NB:]
        src2d_hbm = ei_hbm.at[0]
        dst2d_hbm = ei_hbm.at[1]
        c = lax.axis_index("c")
        s = lax.axis_index("s")
        wid = s * NC + c

        r0 = jnp.minimum(s * ZR, N - ZR)
        pltpu.sync_copy(zeros_hbm, acc.at[pl.ds(r0, ZR)])
        plsc.subcore_barrier()

        cbase = wid * NCHUNK

        def gather(sb, j):
            b = j % NB
            h1 = pltpu.async_copy(
                state_hbm.at[idx_s.at[j].at[pl.ds(0, 24)]],
                rows.at[b].at[pl.ds(0, 24)], semg[b])
            h2 = pltpu.async_copy(
                state_hbm.at[idx_s.at[j].at[pl.ds(24, 16)]],
                rows.at[b].at[pl.ds(24, 16)], semg[b])
            return (h1, h2)

        def scatter(j):
            return pltpu.async_copy(
                rows.at[j % NB], acc.at[idx_d.at[j]], sems_[j % NB], add=True)

        def body(sb, carry):
            hi1 = pltpu.async_copy(
                src2d_hbm.at[pl.ds(cbase + sb * SB, SB)], idx_s, semi)
            hi2 = pltpu.async_copy(
                dst2d_hbm.at[pl.ds(cbase + sb * SB, SB)], idx_d, semi)
            hi1.wait()
            hi2.wait()
            hg = [None] * SB
            hs = [None] * SB
            for j in range(SB):
                if j >= NB:
                    hs[j - NB].wait()
                hg[j] = gather(sb, j)
                if j >= LG:
                    hg[j - LG][0].wait()
                    hg[j - LG][1].wait()
                    hs[j - LG] = scatter(j - LG)
            for j in range(SB - LG, SB):
                hg[j][0].wait()
                hg[j][1].wait()
                hs[j] = scatter(j)
            for j in range(SB - NB, SB):
                hs[j].wait()
            return carry

        lax.fori_loop(0, NSB, body, 0)
        plsc.subcore_barrier()

        pltpu.sync_copy(acc.at[pl.ds(r0, ZR)], out_hbm.at[c, pl.ds(r0, ZR)])

    return sc_scatter


_sc_scatter = _make_sc_scatter()


def _tc_combine_body(acc_ref, state_ref, wrel_ref, wroot_ref, b_ref, out_ref):
    agg = acc_ref[0] + acc_ref[1]
    out = jnp.dot(agg, wrel_ref[...], preferred_element_type=jnp.float32)
    out += jnp.dot(state_ref[...], wroot_ref[...],
                   preferred_element_type=jnp.float32)
    out += b_ref[...]
    out_ref[...] = jnp.maximum(out, 0.0)


BN = 5000


def _tc_combine(pacc, state, w_rel, w_root, b):
    grid = (N // BN,)
    return pl.pallas_call(
        _tc_combine_body,
        grid=grid,
        in_specs=[
            pl.BlockSpec((NC, BN, DP), lambda i: (0, i, 0)),
            pl.BlockSpec((BN, D), lambda i: (i, 0)),
            pl.BlockSpec((DP, D), lambda i: (0, 0)),
            pl.BlockSpec((D, D), lambda i: (0, 0)),
            pl.BlockSpec((1, D), lambda i: (0, 0)),
        ],
        out_specs=pl.BlockSpec((BN, D), lambda i: (i, 0)),
        out_shape=jax.ShapeDtypeStruct((N, D), jnp.float32),
    )(pacc, state, w_rel, w_root, b)


def kernel(state, edge_index, W1_rel, b1_rel, W1_root, W2_rel, b2_rel, W2_root):
    del W1_rel, b1_rel, W1_root
    ei3 = edge_index.astype(jnp.int32).reshape(2, E // K, K)
    state_p = jnp.pad(state, ((0, 0), (0, DP - D)))
    zeros = jnp.zeros((ZR, DP), jnp.float32)
    pacc = _sc_scatter(state_p, ei3, zeros)
    w_rel = jnp.pad(W2_rel, ((0, DP - D), (0, 0)))
    return _tc_combine(pacc, state, w_rel, W2_root, b2_rel.reshape(1, D))

# --- scband reference (transcript-rebuilt; emitter-appended) ---
"""Pipeline reference for scband-gnnnetwork-16166256902829 (READ-ONLY COPY).

The authoritative reference and input builder live on the scoring server;
editing this copy changes nothing except your own understanding.
"""

import jax, jax.numpy as jnp
import numpy as np

N_NODES = 50000
N_EDGES = 1600000
D = 33

def setup_inputs(seed: int = 0) -> dict:
    key = jax.random.key(seed)
    ks = jax.random.split(key, 8)
    state = jax.random.normal(ks[0], (N_NODES, D), dtype=jnp.float32)
    edge_index = jax.random.randint(ks[1], (2, N_EDGES), 0, N_NODES, dtype=jnp.int64)
    s = 1.0 / np.sqrt(D)
    W1_rel = jax.random.uniform(ks[2], (D, D), jnp.float32, -s, s)
    b1_rel = jax.random.uniform(ks[3], (D,), jnp.float32, -s, s)
    W1_root = jax.random.uniform(ks[4], (D, D), jnp.float32, -s, s)
    W2_rel = jax.random.uniform(ks[5], (D, D), jnp.float32, -s, s)
    b2_rel = jax.random.uniform(ks[6], (D,), jnp.float32, -s, s)
    W2_root = jax.random.uniform(ks[7], (D, D), jnp.float32, -s, s)
    return {"state": state, "edge_index": edge_index,
            "W1_rel": W1_rel, "b1_rel": b1_rel, "W1_root": W1_root,
            "W2_rel": W2_rel, "b2_rel": b2_rel, "W2_root": W2_root}

def _graph_conv(x, edge_index, W_rel, b_rel, W_root):
    # PyG GraphConv with aggr='add': out = lin_rel(sum_{j in N(i)} x_j) + lin_root(x_i)
    src = edge_index[0]
    dst = edge_index[1]
    msgs = jnp.take(x, src, axis=0)                     # gather: [E, D]
    agg = jnp.zeros_like(x).at[dst].add(msgs)           # scatter-add: [N, D]
    return agg @ W_rel + b_rel + x @ W_root

def reference(state, edge_index, W1_rel, b1_rel, W1_root, W2_rel, b2_rel, W2_root):
    x = _graph_conv(state, edge_index, W1_rel, b1_rel, W1_root)
    x = jax.nn.relu(x)
    # Faithful to original buggy forward: second conv consumes `state`, not x
    x = _graph_conv(state, edge_index, W2_rel, b2_rel, W2_root)
    x = jax.nn.relu(x)
    return x

if __name__ == "__main__":
    import jax
    _d = setup_inputs()
    print(jax.jit(kernel)(*tuple(_d.values())))

</pallas_src>

<mosaic_0001>
#map = affine_map<(d0, d1) -> (0, 0)>
#map1 = affine_map<(d0, d1) -> (0, 0, 0)>
module attributes {stable_mosaic.version = 14 : i64} {
  func.func @sc_scatter(%arg0: i32, %arg1: i32, %arg2: memref<50000x40xf32, #tpu.memory_space<hbm>>, %arg3: memref<2x40000x40xi32, #tpu.memory_space<hbm>>, %arg4: memref<3128x40xf32, #tpu.memory_space<hbm>>, %arg5: memref<2x50000x40xf32, #tpu.memory_space<hbm>>, %arg6: memref<10x40xi32, #tpu.memory_space<vmem>>, %arg7: memref<10x40xi32, #tpu.memory_space<vmem>>, %arg8: memref<3x40x40xf32, #tpu.memory_space<vmem>>, %arg9: memref<50000x40xf32, #tpu.memory_space<vmem_shared>>, %arg10: memref<!tpu.dma_semaphore, #tpu.memory_space<semaphore_mem>>, %arg11: memref<!tpu.dma_semaphore, #tpu.memory_space<semaphore_mem>>, %arg12: memref<!tpu.dma_semaphore, #tpu.memory_space<semaphore_mem>>, %arg13: memref<!tpu.dma_semaphore, #tpu.memory_space<semaphore_mem>>, %arg14: memref<!tpu.dma_semaphore, #tpu.memory_space<semaphore_mem>>, %arg15: memref<!tpu.dma_semaphore, #tpu.memory_space<semaphore_mem>>, %arg16: memref<!tpu.dma_semaphore, #tpu.memory_space<semaphore_mem>>) attributes {dimension_semantics = [#tpu.dimension_semantics<core_parallel>, #tpu.dimension_semantics<subcore_parallel>], iteration_bounds = array<i64: 2, 16>, scalar_prefetch = 0 : i64, scratch_operands = 11 : i64, tpu.core_type = #tpu.core_type<sc_vector_subcore>, window_params = [{transform_indices = #map}, {transform_indices = #map1}, {transform_indices = #map}, {transform_indices = #map1}]} {
    %mul3A = arith.constant 2 : i32
    %mul3A_0 = arith.muli %arg1, %mul3A : i32
    %add3A = arith.addi %mul3A_0, %arg0 : i32
    %mul3A_1 = arith.constant 3128 : i32
    %mul3A_2 = arith.muli %arg1, %mul3A_1 : i32
    %min3A = arith.constant 46872 : i32
    %min3A_3 = arith.minsi %mul3A_2, %min3A : i32
    "tpu.region"() ({
      %run_scoped3A = tpu.sem_alloc : memref<!tpu.dma_semaphore, #tpu.memory_space<semaphore_mem>>
      %dma_start3A = arith.constant 0 : i32
      %dma_start3A_14 = tpu.memref_slice %arg9[%min3A_3, %dma_start3A] : memref<50000x40xf32, #tpu.memory_space<vmem_shared>> -> memref<3128x40xf32, #tpu.memory_space<vmem_shared>>
      tpu.enqueue_dma source(%arg4 : memref<3128x40xf32, #tpu.memory_space<hbm>>) target(%dma_start3A_14 : memref<3128x40xf32, #tpu.memory_space<vmem_shared>>) target_semaphore(%run_scoped3A : memref<!tpu.dma_semaphore, #tpu.memory_space<semaphore_mem>>)
      %dma_wait3A = arith.constant 0 : i32
      %dma_wait3A_15 = tpu.memref_slice %arg9[%min3A_3, %dma_wait3A] : memref<50000x40xf32, #tpu.memory_space<vmem_shared>> -> memref<3128x40xf32, #tpu.memory_space<vmem_shared>>
      tpu.wait_dma2 semaphore(%run_scoped3A : memref<!tpu.dma_semaphore, #tpu.memory_space<semaphore_mem>>) src(%arg4 : memref<3128x40xf32, #tpu.memory_space<hbm>>) dst(%dma_wait3A_15 : memref<3128x40xf32, #tpu.memory_space<vmem_shared>>)
      tpu.yield
    }) : () -> ()
    %barrier3A = arith.constant 0 : index
    tpu.barrier barrier_id(%barrier3A)
    %mul3A_4 = arith.constant 1250 : i32
    %mul3A_5 = arith.muli %add3A, %mul3A_4 : i32
    %scan3A = arith.constant 0 : i32
    %scan3A_6 = arith.constant 0 : i32
    %scan3A_7 = arith.constant 1 : i32
    %scan3A_8 = arith.constant 0 : i32
    %scan3A_9 = arith.constant 125 : i32
    %scan3A_10 = arith.addi %scan3A_8, %scan3A_9 : i32
    %scan3A_11 = arith.constant 1 : i32
    scf.for %scan3A_14 = %scan3A_8 to %scan3A_10 step %scan3A_11  : i32 {
      %mul3A_15 = arith.constant 10 : i32
      %mul3A_16 = arith.muli %scan3A_14, %mul3A_15 : i32
      %add3A_17 = arith.addi %mul3A_5, %mul3A_16 : i32
      %dma_start3A = arith.constant 0 : i32
      %dma_start3A_18 = arith.constant 0 : i32
      %dma_start3A_19 = tpu.memref_slice %arg3[%scan3A_6, %dma_start3A, %dma_start3A_18] : memref<2x40000x40xi32, #tpu.memory_space<hbm>> -> memref<1x40000x40xi32, #tpu.memory_space<hbm>>
      %dma_start3A_20 = tpu.memref_squeeze %dma_start3A_19 : memref<1x40000x40xi32, #tpu.memory_space<hbm>> -> memref<40000x40xi32, #tpu.memory_space<hbm>>
      %dma_start3A_21 = arith.constant 0 : i32
      %dma_start3A_22 = tpu.memref_slice %dma_start3A_20[%add3A_17, %dma_start3A_21] : memref<40000x40xi32, #tpu.memory_space<hbm>> -> memref<10x40xi32, #tpu.memory_space<hbm>>
      %dma_start3A_23 = arith.constant 0 : i32
      %dma_start3A_24 = arith.constant 0 : i32
      %dma_start3A_25 = tpu.memref_slice %arg3[%scan3A_6, %dma_start3A_23, %dma_start3A_24] : memref<2x40000x40xi32, #tpu.memory_space<hbm>> -> memref<1x40000x40xi32, #tpu.memory_space<hbm>>
      %dma_start3A_26 = tpu.memref_squeeze %dma_start3A_25 : memref<1x40000x40xi32, #tpu.memory_space<hbm>> -> memref<40000x40xi32, #tpu.memory_space<hbm>>
      %dma_start3A_27 = arith.constant 0 : i32
      %dma_start3A_28 = tpu.memref_slice %dma_start3A_26[%add3A_17, %dma_start3A_27] : memref<40000x40xi32, #tpu.memory_space<hbm>> -> memref<10x40xi32, #tpu.memory_space<hbm>>
      tpu.enqueue_dma source(%dma_start3A_28 : memref<10x40xi32, #tpu.memory_space<hbm>>) target(%arg6 : memref<10x40xi32, #tpu.memory_space<vmem>>) target_semaphore(%arg10 : memref<!tpu.dma_semaphore, #tpu.memory_space<semaphore_mem>>)
      %mul3A_29 = arith.constant 10 : i32
      %mul3A_30 = arith.muli %scan3A_14, %mul3A_29 : i32
      %add3A_31 = arith.addi %mul3A_5, %mul3A_30 : i32
      %dma_start3A_32 = arith.constant 0 : i32
      %dma_start3A_33 = arith.constant 0 : i32
      %dma_start3A_34 = tpu.memref_slice %arg3[%scan3A_7, %dma_start3A_32, %dma_start3A_33] : memref<2x40000x40xi32, #tpu.memory_space<hbm>> -> memref<1x40000x40xi32, #tpu.memory_space<hbm>>
      %dma_start3A_35 = tpu.memref_squeeze %dma_start3A_34 : memref<1x40000x40xi32, #tpu.memory_space<hbm>> -> memref<40000x40xi32, #tpu.memory_space<hbm>>
      %dma_start3A_36 = arith.constant 0 : i32
      %dma_start3A_37 = tpu.memref_slice %dma_start3A_35[%add3A_31, %dma_start3A_36] : memref<40000x40xi32, #tpu.memory_space<hbm>> -> memref<10x40xi32, #tpu.memory_space<hbm>>
      %dma_start3A_38 = arith.constant 0 : i32
      %dma_start3A_39 = arith.constant 0 : i32
      %dma_start3A_40 = tpu.memref_slice %arg3[%scan3A_7, %dma_start3A_38, %dma_start3A_39] : memref<2x40000x40xi32, #tpu.memory_space<hbm>> -> memref<1x40000x40xi32, #tpu.memory_space<hbm>>
      %dma_start3A_41 = tpu.memref_squeeze %dma_start3A_40 : memref<1x40000x40xi32, #tpu.memory_space<hbm>> -> memref<40000x40xi32, #tpu.memory_space<hbm>>
      %dma_start3A_42 = arith.constant 0 : i32
      %dma_start3A_43 = tpu.memref_slice %dma_start3A_41[%add3A_31, %dma_start3A_42] : memref<40000x40xi32, #tpu.memory_space<hbm>> -> memref<10x40xi32, #tpu.memory_space<hbm>>
      tpu.enqueue_dma source(%dma_start3A_43 : memref<10x40xi32, #tpu.memory_space<hbm>>) target(%arg7 : memref<10x40xi32, #tpu.memory_space<vmem>>) target_semaphore(%arg10 : memref<!tpu.dma_semaphore, #tpu.memory_space<semaphore_mem>>)
      %dma_wait3A = arith.constant 0 : i32
      %dma_wait3A_44 = arith.constant 0 : i32
      %dma_wait3A_45 = tpu.memref_slice %arg3[%scan3A_6, %dma_wait3A, %dma_wait3A_44] : memref<2x40000x40xi32, #tpu.memory_space<hbm>> -> memref<1x40000x40xi32, #tpu.memory_space<hbm>>
      %dma_wait3A_46 = tpu.memref_squeeze %dma_wait3A_45 : memref<1x40000x40xi32, #tpu.memory_space<hbm>> -> memref<40000x40xi32, #tpu.memory_space<hbm>>
      %dma_wait3A_47 = arith.constant 0 : i32
      %dma_wait3A_48 = tpu.memref_slice %dma_wait3A_46[%add3A_17, %dma_wait3A_47] : memref<40000x40xi32, #tpu.memory_space<hbm>> -> memref<10x40xi32, #tpu.memory_space<hbm>>
      %dma_wait3A_49 = arith.constant 0 : i32
      %dma_wait3A_50 = arith.constant 0 : i32
      %dma_wait3A_51 = tpu.memref_slice %arg3[%scan3A_6, %dma_wait3A_49, %dma_wait3A_50] : memref<2x40000x40xi32, #tpu.memory_space<hbm>> -> memref<1x40000x40xi32, #tpu.memory_space<hbm>>
      %dma_wait3A_52 = tpu.memref_squeeze %dma_wait3A_51 : memref<1x40000x40xi32, #tpu.memory_space<hbm>> -> memref<40000x40xi32, #tpu.memory_space<hbm>>
      %dma_wait3A_53 = arith.constant 0 : i32
      %dma_wait3A_54 = tpu.memref_slice %dma_wait3A_52[%add3A_17, %dma_wait3A_53] : memref<40000x40xi32, #tpu.memory_space<hbm>> -> memref<10x40xi32, #tpu.memory_space<hbm>>
      tpu.wait_dma2 semaphore(%arg10 : memref<!tpu.dma_semaphore, #tpu.memory_space<semaphore_mem>>) src(%dma_wait3A_54 : memref<10x40xi32, #tpu.memory_space<hbm>>) dst(%arg6 : memref<10x40xi32, #tpu.memory_space<vmem>>)
      %dma_wait3A_55 = arith.constant 0 : i32
      %dma_wait3A_56 = arith.constant 0 : i32
      %dma_wait3A_57 = tpu.memref_slice %arg3[%scan3A_7, %dma_wait3A_55, %dma_wait3A_56] : memref<2x40000x40xi32, #tpu.memory_space<hbm>> -> memref<1x40000x40xi32, #tpu.memory_space<hbm>>
      %dma_wait3A_58 = tpu.memref_squeeze %dma_wait3A_57 : memref<1x40000x40xi32, #tpu.memory_space<hbm>> -> memref<40000x40xi32, #tpu.memory_space<hbm>>
      %dma_wait3A_59 = arith.constant 0 : i32
      %dma_wait3A_60 = tpu.memref_slice %dma_wait3A_58[%add3A_31, %dma_wait3A_59] : memref<40000x40xi32, #tpu.memory_space<hbm>> -> memref<10x40xi32, #tpu.memory_space<hbm>>
      %dma_wait3A_61 = arith.constant 0 : i32
      %dma_wait3A_62 = arith.constant 0 : i32
      %dma_wait3A_63 = tpu.memref_slice %arg3[%scan3A_7, %dma_wait3A_61, %dma_wait3A_62] : memref<2x40000x40xi32, #tpu.memory_space<hbm>> -> memref<1x40000x40xi32, #tpu.memory_space<hbm>>
      %dma_wait3A_64 = tpu.memref_squeeze %dma_wait3A_63 : memref<1x40000x40xi32, #tpu.memory_space<hbm>> -> memref<40000x40xi32, #tpu.memory_space<hbm>>
      %dma_wait3A_65 = arith.constant 0 : i32
      %dma_wait3A_66 = tpu.memref_slice %dma_wait3A_64[%add3A_31, %dma_wait3A_65] : memref<40000x40xi32, #tpu.memory_space<hbm>> -> memref<10x40xi32, #tpu.memory_space<hbm>>
      tpu.wait_dma2 semaphore(%arg10 : memref<!tpu.dma_semaphore, #tpu.memory_space<semaphore_mem>>) src(%dma_wait3A_66 : memref<10x40xi32, #tpu.memory_space<hbm>>) dst(%arg7 : memref<10x40xi32, #tpu.memory_space<vmem>>)
      %dma_start3A_67 = arith.constant 0 : i32
      %dma_start3A_68 = arith.constant 0 : i32
      %dma_start3A_69 = arith.constant 0 : i32
      %dma_start3A_70 = arith.constant 0 : i32
      %dma_start3A_71 = tpu.memref_slice %arg8[%dma_start3A_68, %dma_start3A_69, %dma_start3A_70] : memref<3x40x40xf32, #tpu.memory_space<vmem>> -> memref<1x40x40xf32, #tpu.memory_space<vmem>>
      %dma_start3A_72 = tpu.memref_squeeze %dma_start3A_71 : memref<1x40x40xf32, #tpu.memory_space<vmem>> -> memref<40x40xf32, #tpu.memory_space<vmem>>
      %dma_start3A_73 = arith.constant 0 : i32
      %dma_start3A_74 = arith.constant 0 : i32
      %dma_start3A_75 = tpu.memref_slice %dma_start3A_72[%dma_start3A_73, %dma_start3A_74] : memref<40x40xf32, #tpu.memory_space<vmem>> -> memref<24x40xf32, #tpu.memory_space<vmem>>
      %dma_start3A_76 = arith.constant 0 : i32
      %dma_start3A_77 = tpu.memref_slice %arg6[%dma_start3A_67, %dma_start3A_76] : memref<10x40xi32, #tpu.memory_space<vmem>> -> memref<1x40xi32, #tpu.memory_space<vmem>>
      %dma_start3A_78 = tpu.memref_squeeze %dma_start3A_77 : memref<1x40xi32, #tpu.memory_space<vmem>> -> memref<40xi32, #tpu.memory_space<vmem>>
      %dma_start3A_79 = arith.constant 0 : i32
      %dma_start3A_80 = tpu.memref_slice %dma_start3A_78[%dma_start3A_79] : memref<40xi32, #tpu.memory_space<vmem>> -> memref<24xi32, #tpu.memory_space<vmem>>
      %dma_start3A_81 = arith.constant 0 : i32
      %dma_start3A_82 = arith.constant 0 : i32
      %dma_start3A_83 = tpu.memref_slice %arg2[%dma_start3A_81, %dma_start3A_82] : memref<50000x40xf32, #tpu.memory_space<hbm>> -> memref<50000x40xf32, #tpu.memory_space<hbm>>
      tpu.enqueue_indirect_dma source(%dma_start3A_83 : memref<50000x40xf32, #tpu.memory_space<hbm>>) target(%dma_start3A_75 : memref<24x40xf32, #tpu.memory_space<vmem>>) offsets(%dma_start3A_80 : memref<24xi32, #tpu.memory_space<vmem>>) semaphore(%arg11 : memref<!tpu.dma_semaphore, #tpu.memory_space<semaphore_mem>>)
      %dma_start3A_84 = arith.constant 0 : i32
      %dma_start3A_85 = arith.constant 0 : i32
      %dma_start3A_86 = arith.constant 0 : i32
      %dma_start3A_87 = arith.constant 0 : i32
      %dma_start3A_88 = tpu.memref_slice %arg8[%dma_start3A_85, %dma_start3A_86, %dma_start3A_87] : memref<3x40x40xf32, #tpu.memory_space<vmem>> -> memref<1x40x40xf32, #tpu.memory_space<vmem>>
      %dma_start3A_89 = tpu.memref_squeeze %dma_start3A_88 : memref<1x40x40xf32, #tpu.memory_space<vmem>> -> memref<40x40xf32, #tpu.memory_space<vmem>>
      %dma_start3A_90 = arith.constant 24 : i32
      %dma_start3A_91 = arith.constant 0 : i32
      %dma_start3A_92 = tpu.memref_slice %dma_start3A_89[%dma_start3A_90, %dma_start3A_91] : memref<40x40xf32, #tpu.memory_space<vmem>> -> memref<16x40xf32, #tpu.memory_space<vmem>>
      %dma_start3A_93 = arith.constant 0 : i32
      %dma_start3A_94 = tpu.memref_slice %arg6[%dma_start3A_84, %dma_start3A_93] : memref<10x40xi32, #tpu.memory_space<vmem>> -> memref<1x40xi32, #tpu.memory_space<vmem>>
      %dma_start3A_95 = tpu.memref_squeeze %dma_start3A_94 : memref<1x40xi32, #tpu.memory_space<vmem>> -> memref<40xi32, #tpu.memory_space<vmem>>
      %dma_start3A_96 = arith.constant 24 : i32
      %dma_start3A_97 = tpu.memref_slice %dma_start3A_95[%dma_start3A_96] : memref<40xi32, #tpu.memory_space<vmem>> -> memref<16xi32, #tpu.memory_space<vmem>>
      %dma_start3A_98 = arith.constant 0 : i32
      %dma_start3A_99 = arith.constant 0 : i32
      %dma_start3A_100 = tpu.memref_slice %arg2[%dma_start3A_98, %dma_start3A_99] : memref<50000x40xf32, #tpu.memory_space<hbm>> -> memref<50000x40xf32, #tpu.memory_space<hbm>>
      tpu.enqueue_indirect_dma source(%dma_start3A_100 : memref<50000x40xf32, #tpu.memory_space<hbm>>) target(%dma_start3A_92 : memref<16x40xf32, #tpu.memory_space<vmem>>) offsets(%dma_start3A_97 : memref<16xi32, #tpu.memory_space<vmem>>) semaphore(%arg11 : memref<!tpu.dma_semaphore, #tpu.memory_space<semaphore_mem>>)
      %dma_start3A_101 = arith.constant 1 : i32
      %dma_start3A_102 = arith.constant 1 : i32
      %dma_start3A_103 = arith.constant 0 : i32
      %dma_start3A_104 = arith.constant 0 : i32
      %dma_start3A_105 = tpu.memref_slice %arg8[%dma_start3A_102, %dma_start3A_103, %dma_start3A_104] : memref<3x40x40xf32, #tpu.memory_space<vmem>> -> memref<1x40x40xf32, #tpu.memory_space<vmem>>
      %dma_start3A_106 = tpu.memref_squeeze %dma_start3A_105 : memref<1x40x40xf32, #tpu.memory_space<vmem>> -> memref<40x40xf32, #tpu.memory_space<vmem>>
      %dma_start3A_107 = arith.constant 0 : i32
      %dma_start3A_108 = arith.constant 0 : i32
      %dma_start3A_109 = tpu.memref_slice %dma_start3A_106[%dma_start3A_107, %dma_start3A_108] : memref<40x40xf32, #tpu.memory_space<vmem>> -> memref<24x40xf32, #tpu.memory_space<vmem>>
      %dma_start3A_110 = arith.constant 0 : i32
      %dma_start3A_111 = tpu.memref_slice %arg6[%dma_start3A_101, %dma_start3A_110] : memref<10x40xi32, #tpu.memory_space<vmem>> -> memref<1x40xi32, #tpu.memory_space<vmem>>
      %dma_start3A_112 = tpu.memref_squeeze %dma_start3A_111 : memref<1x40xi32, #tpu.memory_space<vmem>> -> memref<40xi32, #tpu.memory_space<vmem>>
      %dma_start3A_113 = arith.constant 0 : i32
      %dma_start3A_114 = tpu.memref_slice %dma_start3A_112[%dma_start3A_113] : memref<40xi32, #tpu.memory_space<vmem>> -> memref<24xi32, #tpu.memory_space<vmem>>
      %dma_start3A_115 = arith.constant 0 : i32
      %dma_start3A_116 = arith.constant 0 : i32
      %dma_start3A_117 = tpu.memref_slice %arg2[%dma_start3A_115, %dma_start3A_116] : memref<50000x40xf32, #tpu.memory_space<hbm>> -> memref<50000x40xf32, #tpu.memory_space<hbm>>
      tpu.enqueue_indirect_dma source(%dma_start3A_117 : memref<50000x40xf32, #tpu.memory_space<hbm>>) target(%dma_start3A_109 : memref<24x40xf32, #tpu.memory_space<vmem>>) offsets(%dma_start3A_114 : memref<24xi32, #tpu.memory_space<vmem>>) semaphore(%arg12 : memref<!tpu.dma_semaphore, #tpu.memory_space<semaphore_mem>>)
      %dma_start3A_118 = arith.constant 1 : i32
      %dma_start3A_119 = arith.constant 1 : i32
      %dma_start3A_120 = arith.constant 0 : i32
      %dma_start3A_121 = arith.constant 0 : i32
      %dma_start3A_122 = tpu.memref_slice %arg8[%dma_start3A_119, %dma_start3A_120, %dma_start3A_121] : memref<3x40x40xf32, #tpu.memory_space<vmem>> -> memref<1x40x40xf32, #tpu.memory_space<vmem>>
      %dma_start3A_123 = tpu.memref_squeeze %dma_start3A_122 : memref<1x40x40xf32, #tpu.memory_space<vmem>> -> memref<40x40xf32, #tpu.memory_space<vmem>>
      %dma_start3A_124 = arith.constant 24 : i32
      %dma_start3A_125 = arith.constant 0 : i32
      %dma_start3A_126 = tpu.memref_slice %dma_start3A_123[%dma_start3A_124, %dma_start3A_125] : memref<40x40xf32, #tpu.memory_space<vmem>> -> memref<16x40xf32, #tpu.memory_space<vmem>>
      %dma_start3A_127 = arith.constant 0 : i32
      %dma_start3A_128 = tpu.memref_slice %arg6[%dma_start3A_118, %dma_start3A_127] : memref<10x40xi32, #tpu.memory_space<vmem>> -> memref<1x40xi32, #tpu.memory_space<vmem>>
      %dma_start3A_129 = tpu.memref_squeeze %dma_start3A_128 : memref<1x40xi32, #tpu.memory_space<vmem>> -> memref<40xi32, #tpu.memory_space<vmem>>
      %dma_start3A_130 = arith.constant 24 : i32
      %dma_start3A_131 = tpu.memref_slice %dma_start3A_129[%dma_start3A_130] : memref<40xi32, #tpu.memory_space<vmem>> -> memref<16xi32, #tpu.memory_space<vmem>>
      %dma_start3A_132 = arith.constant 0 : i32
      %dma_start3A_133 = arith.constant 0 : i32
      %dma_start3A_134 = tpu.memref_slice %arg2[%dma_start3A_132, %dma_start3A_133] : memref<50000x40xf32, #tpu.memory_space<hbm>> -> memref<50000x40xf32, #tpu.memory_space<hbm>>
      tpu.enqueue_indirect_dma source(%dma_start3A_134 : memref<50000x40xf32, #tpu.memory_space<hbm>>) target(%dma_start3A_126 : memref<16x40xf32, #tpu.memory_space<vmem>>) offsets(%dma_start3A_131 : memref<16xi32, #tpu.memory_space<vmem>>) semaphore(%arg12 : memref<!tpu.dma_semaphore, #tpu.memory_space<semaphore_mem>>)
      %dma_start3A_135 = arith.constant 2 : i32
      %dma_start3A_136 = arith.constant 2 : i32
      %dma_start3A_137 = arith.constant 0 : i32
      %dma_start3A_138 = arith.constant 0 : i32
      %dma_start3A_139 = tpu.memref_slice %arg8[%dma_start3A_136, %dma_start3A_137, %dma_start3A_138] : memref<3x40x40xf32, #tpu.memory_space<vmem>> -> memref<1x40x40xf32, #tpu.memory_space<vmem>>
      %dma_start3A_140 = tpu.memref_squeeze %dma_start3A_139 : memref<1x40x40xf32, #tpu.memory_space<vmem>> -> memref<40x40xf32, #tpu.memory_space<vmem>>
      %dma_start3A_141 = arith.constant 0 : i32
      %dma_start3A_142 = arith.constant 0 : i32
      %dma_start3A_143 = tpu.memref_slice %dma_start3A_140[%dma_start3A_141, %dma_start3A_142] : memref<40x40xf32, #tpu.memory_space<vmem>> -> memref<24x40xf32, #tpu.memory_space<vmem>>
      %dma_start3A_144 = arith.constant 0 : i32
      %dma_start3A_145 = tpu.memref_slice %arg6[%dma_start3A_135, %dma_start3A_144] : memref<10x40xi32, #tpu.memory_space<vmem>> -> memref<1x40xi32, #tpu.memory_space<vmem>>
      %dma_start3A_146 = tpu.memref_squeeze %dma_start3A_145 : memref<1x40xi32, #tpu.memory_space<vmem>> -> memref<40xi32, #tpu.memory_space<vmem>>
      %dma_start3A_147 = arith.constant 0 : i32
      %dma_start3A_148 = tpu.memref_slice %dma_start3A_146[%dma_start3A_147] : memref<40xi32, #tpu.memory_space<vmem>> -> memref<24xi32, #tpu.memory_space<vmem>>
      %dma_start3A_149 = arith.constant 0 : i32
      %dma_start3A_150 = arith.constant 0 : i32
      %dma_start3A_151 = tpu.memref_slice %arg2[%dma_start3A_149, %dma_start3A_150] : memref<50000x40xf32, #tpu.memory_space<hbm>> -> memref<50000x40xf32, #tpu.memory_space<hbm>>
      tpu.enqueue_indirect_dma source(%dma_start3A_151 : memref<50000x40xf32, #tpu.memory_space<hbm>>) target(%dma_start3A_143 : memref<24x40xf32, #tpu.memory_space<vmem>>) offsets(%dma_start3A_148 : memref<24xi32, #tpu.memory_space<vmem>>) semaphore(%arg13 : memref<!tpu.dma_semaphore, #tpu.memory_space<semaphore_mem>>)
      %dma_start3A_152 = arith.constant 2 : i32
      %dma_start3A_153 = arith.constant 2 : i32
      %dma_start3A_154 = arith.constant 0 : i32
      %dma_start3A_155 = arith.constant 0 : i32
      %dma_start3A_156 = tpu.memref_slice %arg8[%dma_start3A_153, %dma_start3A_154, %dma_start3A_155] : memref<3x40x40xf32, #tpu.memory_space<vmem>> -> memref<1x40x40xf32, #tpu.memory_space<vmem>>
      %dma_start3A_157 = tpu.memref_squeeze %dma_start3A_156 : memref<1x40x40xf32, #tpu.memory_space<vmem>> -> memref<40x40xf32, #tpu.memory_space<vmem>>
      %dma_start3A_158 = arith.constant 24 : i32
      %dma_start3A_159 = arith.constant 0 : i32
      %dma_start3A_160 = tpu.memref_slice %dma_start3A_157[%dma_start3A_158, %dma_start3A_159] : memref<40x40xf32, #tpu.memory_space<vmem>> -> memref<16x40xf32, #tpu.memory_space<vmem>>
      %dma_start3A_161 = arith.constant 0 : i32
      %dma_start3A_162 = tpu.memref_slice %arg6[%dma_start3A_152, %dma_start3A_161] : memref<10x40xi32, #tpu.memory_space<vmem>> -> memref<1x40xi32, #tpu.memory_space<vmem>>
      %dma_start3A_163 = tpu.memref_squeeze %dma_start3A_162 : memref<1x40xi32, #tpu.memory_space<vmem>> -> memref<40xi32, #tpu.memory_space<vmem>>
      %dma_start3A_164 = arith.constant 24 : i32
      %dma_start3A_165 = tpu.memref_slice %dma_start3A_163[%dma_start3A_164] : memref<40xi32, #tpu.memory_space<vmem>> -> memref<16xi32, #tpu.memory_space<vmem>>
      %dma_start3A_166 = arith.constant 0 : i32
      %dma_start3A_167 = arith.constant 0 : i32
      %dma_start3A_168 = tpu.memref_slice %arg2[%dma_start3A_166, %dma_start3A_167] : memref<50000x40xf32, #tpu.memory_space<hbm>> -> memref<50000x40xf32, #tpu.memory_space<hbm>>
      tpu.enqueue_indirect_dma source(%dma_start3A_168 : memref<50000x40xf32, #tpu.memory_space<hbm>>) target(%dma_start3A_160 : memref<16x40xf32, #tpu.memory_space<vmem>>) offsets(%dma_start3A_165 : memref<16xi32, #tpu.memory_space<vmem>>) semaphore(%arg13 : memref<!tpu.dma_semaphore, #tpu.memory_space<semaphore_mem>>)
      %dma_wait3A_169 = arith.constant 0 : i32
      %dma_wait3A_170 = arith.constant 0 : i32
      %dma_wait3A_171 = arith.constant 0 : i32
      %dma_wait3A_172 = arith.constant 0 : i32
      %dma_wait3A_173 = tpu.memref_slice %arg8[%dma_wait3A_170, %dma_wait3A_171, %dma_wait3A_172] : memref<3x40x40xf32, #tpu.memory_space<vmem>> -> memref<1x40x40xf32, #tpu.memory_space<vmem>>
      %dma_wait3A_174 = tpu.memref_squeeze %dma_wait3A_173 : memref<1x40x40xf32, #tpu.memory_space<vmem>> -> memref<40x40xf32, #tpu.memory_space<vmem>>
      %dma_wait3A_175 = arith.constant 0 : i32
      %dma_wait3A_176 = arith.constant 0 : i32
      %dma_wait3A_177 = tpu.memref_slice %dma_wait3A_174[%dma_wait3A_175, %dma_wait3A_176] : memref<40x40xf32, #tpu.memory_space<vmem>> -> memref<24x40xf32, #tpu.memory_space<vmem>>
      %dma_wait3A_178 = arith.constant 0 : i32
      %dma_wait3A_179 = tpu.memref_slice %arg6[%dma_wait3A_169, %dma_wait3A_178] : memref<10x40xi32, #tpu.memory_space<vmem>> -> memref<1x40xi32, #tpu.memory_space<vmem>>
      %dma_wait3A_180 = tpu.memref_squeeze %dma_wait3A_179 : memref<1x40xi32, #tpu.memory_space<vmem>> -> memref<40xi32, #tpu.memory_space<vmem>>
      %dma_wait3A_181 = arith.constant 0 : i32
      %dma_wait3A_182 = tpu.memref_slice %dma_wait3A_180[%dma_wait3A_181] : memref<40xi32, #tpu.memory_space<vmem>> -> memref<24xi32, #tpu.memory_space<vmem>>
      %dma_wait3A_183 = arith.constant 0 : i32
      %dma_wait3A_184 = arith.constant 0 : i32
      %dma_wait3A_185 = tpu.memref_slice %arg2[%dma_wait3A_183, %dma_wait3A_184] : memref<50000x40xf32, #tpu.memory_space<hbm>> -> memref<50000x40xf32, #tpu.memory_space<hbm>>
      tpu.wait_indirect_dma semaphore(%arg11 : memref<!tpu.dma_semaphore, #tpu.memory_space<semaphore_mem>>) src(%dma_wait3A_185 : memref<50000x40xf32, #tpu.memory_space<hbm>>) dst(%dma_wait3A_177 : memref<24x40xf32, #tpu.memory_space<vmem>>)
      %dma_wait3A_186 = arith.constant 0 : i32
      %dma_wait3A_187 = arith.constant 0 : i32
      %dma_wait3A_188 = arith.constant 0 : i32
      %dma_wait3A_189 = arith.constant 0 : i32
      %dma_wait3A_190 = tpu.memref_slice %arg8[%dma_wait3A_187, %dma_wait3A_188, %dma_wait3A_189] : memref<3x40x40xf32, #tpu.memory_space<vmem>> -> memref<1x40x40xf32, #tpu.memory_space<vmem>>
      %dma_wait3A_191 = tpu.memref_squeeze %dma_wait3A_190 : memref<1x40x40xf32, #tpu.memory_space<vmem>> -> memref<40x40xf32, #tpu.memory_space<vmem>>
      %dma_wait3A_192 = arith.constant 24 : i32
      %dma_wait3A_193 = arith.constant 0 : i32
      %dma_wait3A_194 = tpu.memref_slice %dma_wait3A_191[%dma_wait3A_192, %dma_wait3A_193] : memref<40x40xf32, #tpu.memory_space<vmem>> -> memref<16x40xf32, #tpu.memory_space<vmem>>
      %dma_wait3A_195 = arith.constant 0 : i32
      %dma_wait3A_196 = tpu.memref_slice %arg6[%dma_wait3A_186, %dma_wait3A_195] : memref<10x40xi32, #tpu.memory_space<vmem>> -> memref<1x40xi32, #tpu.memory_space<vmem>>
      %dma_wait3A_197 = tpu.memref_squeeze %dma_wait3A_196 : memref<1x40xi32, #tpu.memory_space<vmem>> -> memref<40xi32, #tpu.memory_space<vmem>>
      %dma_wait3A_198 = arith.constant 24 : i32
      %dma_wait3A_199 = tpu.memref_slice %dma_wait3A_197[%dma_wait3A_198] : memref<40xi32, #tpu.memory_space<vmem>> -> memref<16xi32, #tpu.memory_space<vmem>>
      %dma_wait3A_200 = arith.constant 0 : i32
      %dma_wait3A_201 = arith.constant 0 : i32
      %dma_wait3A_202 = tpu.memref_slice %arg2[%dma_wait3A_200, %dma_wait3A_201] : memref<50000x40xf32, #tpu.memory_space<hbm>> -> memref<50000x40xf32, #tpu.memory_space<hbm>>
      tpu.wait_indirect_dma semaphore(%arg11 : memref<!tpu.dma_semaphore, #tpu.memory_space<semaphore_mem>>) src(%dma_wait3A_202 : memref<50000x40xf32, #tpu.memory_space<hbm>>) dst(%dma_wait3A_194 : memref<16x40xf32, #tpu.memory_space<vmem>>)
      %dma_start3A_203 = arith.constant 0 : i32
      %dma_start3A_204 = arith.constant 0 : i32
      %dma_start3A_205 = arith.constant 0 : i32
      %dma_start3A_206 = arith.constant 0 : i32
      %dma_start3A_207 = tpu.memref_slice %arg8[%dma_start3A_203, %dma_start3A_205, %dma_start3A_206] : memref<3x40x40xf32, #tpu.memory_space<vmem>> -> memref<1x40x40xf32, #tpu.memory_space<vmem>>
      %dma_start3A_208 = tpu.memref_squeeze %dma_start3A_207 : memref<1x40x40xf32, #tpu.memory_space<vmem>> -> memref<40x40xf32, #tpu.memory_space<vmem>>
      %dma_start3A_209 = arith.constant 0 : i32
      %dma_start3A_210 = tpu.memref_slice %arg7[%dma_start3A_204, %dma_start3A_209] : memref<10x40xi32, #tpu.memory_space<vmem>> -> memref<1x40xi32, #tpu.memory_space<vmem>>
      %dma_start3A_211 = tpu.memref_squeeze %dma_start3A_210 : memref<1x40xi32, #tpu.memory_space<vmem>> -> memref<40xi32, #tpu.memory_space<vmem>>
      %dma_start3A_212 = arith.constant 0 : i32
      %dma_start3A_213 = arith.constant 0 : i32
      %dma_start3A_214 = tpu.memref_slice %arg9[%dma_start3A_212, %dma_start3A_213] : memref<50000x40xf32, #tpu.memory_space<vmem_shared>> -> memref<50000x40xf32, #tpu.memory_space<vmem_shared>>
      tpu.enqueue_indirect_dma source(%dma_start3A_208 : memref<40x40xf32, #tpu.memory_space<vmem>>) target(%dma_start3A_214 : memref<50000x40xf32, #tpu.memory_space<vmem_shared>>) offsets(%dma_start3A_211 : memref<40xi32, #tpu.memory_space<vmem>>) semaphore(%arg14 : memref<!tpu.dma_semaphore, #tpu.memory_space<semaphore_mem>>) {add = true}
      %dma_wait3A_215 = arith.constant 0 : i32
      %dma_wait3A_216 = arith.constant 0 : i32
      %dma_wait3A_217 = arith.constant 0 : i32
      %dma_wait3A_218 = arith.constant 0 : i32
      %dma_wait3A_219 = tpu.memref_slice %arg8[%dma_wait3A_215, %dma_wait3A_217, %dma_wait3A_218] : memref<3x40x40xf32, #tpu.memory_space<vmem>> -> memref<1x40x40xf32, #tpu.memory_space<vmem>>
      %dma_wait3A_220 = tpu.memref_squeeze %dma_wait3A_219 : memref<1x40x40xf32, #tpu.memory_space<vmem>> -> memref<40x40xf32, #tpu.memory_space<vmem>>
      %dma_wait3A_221 = arith.constant 0 : i32
      %dma_wait3A_222 = tpu.memref_slice %arg7[%dma_wait3A_216, %dma_wait3A_221] : memref<10x40xi32, #tpu.memory_space<vmem>> -> memref<1x40xi32, #tpu.memory_space<vmem>>
      %dma_wait3A_223 = tpu.memref_squeeze %dma_wait3A_222 : memref<1x40xi32, #tpu.memory_space<vmem>> -> memref<40xi32, #tpu.memory_space<vmem>>
      %dma_wait3A_224 = arith.constant 0 : i32
      %dma_wait3A_225 = arith.constant 0 : i32
      %dma_wait3A_226 = tpu.memref_slice %arg9[%dma_wait3A_224, %dma_wait3A_225] : memref<50000x40xf32, #tpu.memory_space<vmem_shared>> -> memref<50000x40xf32, #tpu.memory_space<vmem_shared>>
      tpu.wait_indirect_dma semaphore(%arg14 : memref<!tpu.dma_semaphore, #tpu.memory_space<semaphore_mem>>) src(%dma_wait3A_220 : memref<40x40xf32, #tpu.memory_space<vmem>>) dst(%dma_wait3A_226 : memref<50000x40xf32, #tpu.memory_space<vmem_shared>>)
      %dma_start3A_227 = arith.constant 3 : i32
      %dma_start3A_228 = arith.constant 0 : i32
      %dma_start3A_229 = arith.constant 0 : i32
      %dma_start3A_230 = arith.constant 0 : i32
      %dma_start3A_231 = tpu.memref_slice %arg8[%dma_start3A_228, %dma_start3A_229, %dma_start3A_230] : memref<3x40x40xf32, #tpu.memory_space<vmem>> -> memref<1x40x40xf32, #tpu.memory_space<vmem>>
      %dma_start3A_232 = tpu.memref_squeeze %dma_start3A_231 : memref<1x40x40xf32, #tpu.memory_space<vmem>> -> memref<40x40xf32, #tpu.memory_space<vmem>>
      %dma_start3A_233 = arith.constant 0 : i32
      %dma_start3A_234 = arith.constant 0 : i32
      %dma_start3A_235 = tpu.memref_slice %dma_start3A_232[%dma_start3A_233, %dma_start3A_234] : memref<40x40xf32, #tpu.memory_space<vmem>> -> memref<24x40xf32, #tpu.memory_space<vmem>>
      %dma_start3A_236 = arith.constant 0 : i32
      %dma_start3A_237 = tpu.memref_slice %arg6[%dma_start3A_227, %dma_start3A_236] : memref<10x40xi32, #tpu.memory_space<vmem>> -> memref<1x40xi32, #tpu.memory_space<vmem>>
      %dma_start3A_238 = tpu.memref_squeeze %dma_start3A_237 : memref<1x40xi32, #tpu.memory_space<vmem>> -> memref<40xi32, #tpu.memory_space<vmem>>
      %dma_start3A_239 = arith.constant 0 : i32
      %dma_start3A_240 = tpu.memref_slice %dma_start3A_238[%dma_start3A_239] : memref<40xi32, #tpu.memory_space<vmem>> -> memref<24xi32, #tpu.memory_space<vmem>>
      %dma_start3A_241 = arith.constant 0 : i32
      %dma_start3A_242 = arith.constant 0 : i32
      %dma_start3A_243 = tpu.memref_slice %arg2[%dma_start3A_241, %dma_start3A_242] : memref<50000x40xf32, #tpu.memory_space<hbm>> -> memref<50000x40xf32, #tpu.memory_space<hbm>>
      tpu.enqueue_indirect_dma source(%dma_start3A_243 : memref<50000x40xf32, #tpu.memory_space<hbm>>) target(%dma_start3A_235 : memref<24x40xf32, #tpu.memory_space<vmem>>) offsets(%dma_start3A_240 : memref<24xi32, #tpu.memory_space<vmem>>) semaphore(%arg11 : memref<!tpu.dma_semaphore, #tpu.memory_space<semaphore_mem>>)
      %dma_start3A_244 = arith.constant 3 : i32
      %dma_start3A_245 = arith.constant 0 : i32
      %dma_start3A_246 = arith.constant 0 : i32
      %dma_start3A_247 = arith.constant 0 : i32
      %dma_start3A_248 = tpu.memref_slice %arg8[%dma_start3A_245, %dma_start3A_246, %dma_start3A_247] : memref<3x40x40xf32, #tpu.memory_space<vmem>> -> memref<1x40x40xf32, #tpu.memory_space<vmem>>
      %dma_start3A_249 = tpu.memref_squeeze %dma_start3A_248 : memref<1x40x40xf32, #tpu.memory_space<vmem>> -> memref<40x40xf32, #tpu.memory_space<vmem>>
      %dma_start3A_250 = arith.constant 24 : i32
      %dma_start3A_251 = arith.constant 0 : i32
      %dma_start3A_252 = tpu.memref_slice %dma_start3A_249[%dma_start3A_250, %dma_start3A_251] : memref<40x40xf32, #tpu.memory_space<vmem>> -> memref<16x40xf32, #tpu.memory_space<vmem>>
      %dma_start3A_253 = arith.constant 0 : i32
      %dma_start3A_254 = tpu.memref_slice %arg6[%dma_start3A_244, %dma_start3A_253] : memref<10x40xi32, #tpu.memory_space<vmem>> -> memref<1x40xi32, #tpu.memory_space<vmem>>
      %dma_start3A_255 = tpu.memref_squeeze %dma_start3A_254 : memref<1x40xi32, #tpu.memory_space<vmem>> -> memref<40xi32, #tpu.memory_space<vmem>>
      %dma_start3A_256 = arith.constant 24 : i32
      %dma_start3A_257 = tpu.memref_slice %dma_start3A_255[%dma_start3A_256] : memref<40xi32, #tpu.memory_space<vmem>> -> memref<16xi32, #tpu.memory_space<vmem>>
      %dma_start3A_258 = arith.constant 0 : i32
      %dma_start3A_259 = arith.constant 0 : i32
      %dma_start3A_260 = tpu.memref_slice %arg2[%dma_start3A_258, %dma_start3A_259] : memref<50000x40xf32, #tpu.memory_space<hbm>> -> memref<50000x40xf32, #tpu.memory_space<hbm>>
      tpu.enqueue_indirect_dma source(%dma_start3A_260 : memref<50000x40xf32, #tpu.memory_space<hbm>>) target(%dma_start3A_252 : memref<16x40xf32, #tpu.memory_space<vmem>>) offsets(%dma_start3A_257 : memref<16xi32, #tpu.memory_space<vmem>>) semaphore(%arg11 : memref<!tpu.dma_semaphore, #tpu.memory_space<semaphore_mem>>)
      %dma_wait3A_261 = arith.constant 1 : i32
      %dma_wait3A_262 = arith.constant 1 : i32
      %dma_wait3A_263 = arith.constant 0 : i32
      %dma_wait3A_264 = arith.constant 0 : i32
      %dma_wait3A_265 = tpu.memref_slice %arg8[%dma_wait3A_262, %dma_wait3A_263, %dma_wait3A_264] : memref<3x40x40xf32, #tpu.memory_space<vmem>> -> memref<1x40x40xf32, #tpu.memory_space<vmem>>
      %dma_wait3A_266 = tpu.memref_squeeze %dma_wait3A_265 : memref<1x40x40xf32, #tpu.memory_space<vmem>> -> memref<40x40xf32, #tpu.memory_space<vmem>>
      %dma_wait3A_267 = arith.constant 0 : i32
      %dma_wait3A_268 = arith.constant 0 : i32
      %dma_wait3A_269 = tpu.memref_slice %dma_wait3A_266[%dma_wait3A_267, %dma_wait3A_268] : memref<40x40xf32, #tpu.memory_space<vmem>> -> memref<24x40xf32, #tpu.memory_space<vmem>>
      %dma_wait3A_270 = arith.constant 0 : i32
      %dma_wait3A_271 = tpu.memref_slice %arg6[%dma_wait3A_261, %dma_wait3A_270] : memref<10x40xi32, #tpu.memory_space<vmem>> -> memref<1x40xi32, #tpu.memory_space<vmem>>
      %dma_wait3A_272 = tpu.memref_squeeze %dma_wait3A_271 : memref<1x40xi32, #tpu.memory_space<vmem>> -> memref<40xi32, #tpu.memory_space<vmem>>
      %dma_wait3A_273 = arith.constant 0 : i32
      %dma_wait3A_274 = tpu.memref_slice %dma_wait3A_272[%dma_wait3A_273] : memref<40xi32, #tpu.memory_space<vmem>> -> memref<24xi32, #tpu.memory_space<vmem>>
      %dma_wait3A_275 = arith.constant 0 : i32
      %dma_wait3A_276 = arith.constant 0 : i32
      %dma_wait3A_277 = tpu.memref_slice %arg2[%dma_wait3A_275, %dma_wait3A_276] : memref<50000x40xf32, #tpu.memory_space<hbm>> -> memref<50000x40xf32, #tpu.memory_space<hbm>>
      tpu.wait_indirect_dma semaphore(%arg12 : memref<!tpu.dma_semaphore, #tpu.memory_space<semaphore_mem>>) src(%dma_wait3A_277 : memref<50000x40xf32, #tpu.memory_space<hbm>>) dst(%dma_wait3A_269 : memref<24x40xf32, #tpu.memory_space<vmem>>)
      %dma_wait3A_278 = arith.constant 1 : i32
      %dma_wait3A_279 = arith.constant 1 : i32
      %dma_wait3A_280 = arith.constant 0 : i32
      %dma_wait3A_281 = arith.constant 0 : i32
      %dma_wait3A_282 = tpu.memref_slice %arg8[%dma_wait3A_279, %dma_wait3A_280, %dma_wait3A_281] : memref<3x40x40xf32, #tpu.memory_space<vmem>> -> memref<1x40x40xf32, #tpu.memory_space<vmem>>
      %dma_wait3A_283 = tpu.memref_squeeze %dma_wait3A_282 : memref<1x40x40xf32, #tpu.memory_space<vmem>> -> memref<40x40xf32, #tpu.memory_space<vmem>>
      %dma_wait3A_284 = arith.constant 24 : i32
      %dma_wait3A_285 = arith.constant 0 : i32
      %dma_wait3A_286 = tpu.memref_slice %dma_wait3A_283[%dma_wait3A_284, %dma_wait3A_285] : memref<40x40xf32, #tpu.memory_space<vmem>> -> memref<16x40xf32, #tpu.memory_space<vmem>>
      %dma_wait3A_287 = arith.constant 0 : i32
      %dma_wait3A_288 = tpu.memref_slice %arg6[%dma_wait3A_278, %dma_wait3A_287] : memref<10x40xi32, #tpu.memory_space<vmem>> -> memref<1x40xi32, #tpu.memory_space<vmem>>
      %dma_wait3A_289 = tpu.memref_squeeze %dma_wait3A_288 : memref<1x40xi32, #tpu.memory_space<vmem>> -> memref<40xi32, #tpu.memory_space<vmem>>
      %dma_wait3A_290 = arith.constant 24 : i32
      %dma_wait3A_291 = tpu.memref_slice %dma_wait3A_289[%dma_wait3A_290] : memref<40xi32, #tpu.memory_space<vmem>> -> memref<16xi32, #tpu.memory_space<vmem>>
      %dma_wait3A_292 = arith.constant 0 : i32
      %dma_wait3A_293 = arith.constant 0 : i32
      %dma_wait3A_294 = tpu.memref_slice %arg2[%dma_wait3A_292, %dma_wait3A_293] : memref<50000x40xf32, #tpu.memory_space<hbm>> -> memref<50000x40xf32, #tpu.memory_space<hbm>>
      tpu.wait_indirect_dma semaphore(%arg12 : memref<!tpu.dma_semaphore, #tpu.memory_space<semaphore_mem>>) src(%dma_wait3A_294 : memref<50000x40xf32, #tpu.memory_space<hbm>>) dst(%dma_wait3A_286 : memref<16x40xf32, #tpu.memory_space<vmem>>)
      %dma_start3A_295 = arith.constant 1 : i32
      %dma_start3A_296 = arith.constant 1 : i32
      %dma_start3A_297 = arith.constant 0 : i32
      %dma_start3A_298 = arith.constant 0 : i32
      %dma_start3A_299 = tpu.memref_slice %arg8[%dma_start3A_295, %dma_start3A_297, %dma_start3A_298] : memref<3x40x40xf32, #tpu.memory_space<vmem>> -> memref<1x40x40xf32, #tpu.memory_space<vmem>>
      %dma_start3A_300 = tpu.memref_squeeze %dma_start3A_299 : memref<1x40x40xf32, #tpu.memory_space<vmem>> -> memref<40x40xf32, #tpu.memory_space<vmem>>
      %dma_start3A_301 = arith.constant 0 : i32
      %dma_start3A_302 = tpu.memref_slice %arg7[%dma_start3A_296, %dma_start3A_301] : memref<10x40xi32, #tpu.memory_space<vmem>> -> memref<1x40xi32, #tpu.memory_space<vmem>>
      %dma_start3A_303 = tpu.memref_squeeze %dma_start3A_302 : memref<1x40xi32, #tpu.memory_space<vmem>> -> memref<40xi32, #tpu.memory_space<vmem>>
      %dma_start3A_304 = arith.constant 0 : i32
      %dma_start3A_305 = arith.constant 0 : i32
      %dma_start3A_306 = tpu.memref_slice %arg9[%dma_start3A_304, %dma_start3A_305] : memref<50000x40xf32, #tpu.memory_space<vmem_shared>> -> memref<50000x40xf32, #tpu.memory_space<vmem_shared>>
      tpu.enqueue_indirect_dma source(%dma_start3A_300 : memref<40x40xf32, #tpu.memory_space<vmem>>) target(%dma_start3A_306 : memref<50000x40xf32, #tpu.memory_space<vmem_shared>>) offsets(%dma_start3A_303 : memref<40xi32, #tpu.memory_space<vmem>>) semaphore(%arg15 : memref<!tpu.dma_semaphore, #tpu.memory_space<semaphore_mem>>) {add = true}
      %dma_wait3A_307 = arith.constant 1 : i32
      %dma_wait3A_308 = arith.constant 1 : i32
      %dma_wait3A_309 = arith.constant 0 : i32
      %dma_wait3A_310 = arith.constant 0 : i32
      %dma_wait3A_311 = tpu.memref_slice %arg8[%dma_wait3A_307, %dma_wait3A_309, %dma_wait3A_310] : memref<3x40x40xf32, #tpu.memory_space<vmem>> -> memref<1x40x40xf32, #tpu.memory_space<vmem>>
      %dma_wait3A_312 = tpu.memref_squeeze %dma_wait3A_311 : memref<1x40x40xf32, #tpu.memory_space<vmem>> -> memref<40x40xf32, #tpu.memory_space<vmem>>
      %dma_wait3A_313 = arith.constant 0 : i32
      %dma_wait3A_314 = tpu.memref_slice %arg7[%dma_wait3A_308, %dma_wait3A_313] : memref<10x40xi32, #tpu.memory_space<vmem>> -> memref<1x40xi32, #tpu.memory_space<vmem>>
      %dma_wait3A_315 = tpu.memref_squeeze %dma_wait3A_314 : memref<1x40xi32, #tpu.memory_space<vmem>> -> memref<40xi32, #tpu.memory_space<vmem>>
      %dma_wait3A_316 = arith.constant 0 : i32
      %dma_wait3A_317 = arith.constant 0 : i32
      %dma_wait3A_318 = tpu.memref_slice %arg9[%dma_wait3A_316, %dma_wait3A_317] : memref<50000x40xf32, #tpu.memory_space<vmem_shared>> -> memref<50000x40xf32, #tpu.memory_space<vmem_shared>>
      tpu.wait_indirect_dma semaphore(%arg15 : memref<!tpu.dma_semaphore, #tpu.memory_space<semaphore_mem>>) src(%dma_wait3A_312 : memref<40x40xf32, #tpu.memory_space<vmem>>) dst(%dma_wait3A_318 : memref<50000x40xf32, #tpu.memory_space<vmem_shared>>)
      %dma_start3A_319 = arith.constant 4 : i32
      %dma_start3A_320 = arith.constant 1 : i32
      %dma_start3A_321 = arith.constant 0 : i32
      %dma_start3A_322 = arith.constant 0 : i32
      %dma_start3A_323 = tpu.memref_slice %arg8[%dma_start3A_320, %dma_start3A_321, %dma_start3A_322] : memref<3x40x40xf32, #tpu.memory_space<vmem>> -> memref<1x40x40xf32, #tpu.memory_space<vmem>>
      %dma_start3A_324 = tpu.memref_squeeze %dma_start3A_323 : memref<1x40x40xf32, #tpu.memory_space<vmem>> -> memref<40x40xf32, #tpu.memory_space<vmem>>
      %dma_start3A_325 = arith.constant 0 : i32
      %dma_start3A_326 = arith.constant 0 : i32
      %dma_start3A_327 = tpu.memref_slice %dma_start3A_324[%dma_start3A_325, %dma_start3A_326] : memref<40x40xf32, #tpu.memory_space<vmem>> -> memref<24x40xf32, #tpu.memory_space<vmem>>
      %dma_start3A_328 = arith.constant 0 : i32
      %dma_start3A_329 = tpu.memref_slice %arg6[%dma_start3A_319, %dma_start3A_328] : memref<10x40xi32, #tpu.memory_space<vmem>> -> memref<1x40xi32, #tpu.memory_space<vmem>>
      %dma_start3A_330 = tpu.memref_squeeze %dma_start3A_329 : memref<1x40xi32, #tpu.memory_space<vmem>> -> memref<40xi32, #tpu.memory_space<vmem>>
      %dma_start3A_331 = arith.constant 0 : i32
      %dma_start3A_332 = tpu.memref_slice %dma_start3A_330[%dma_start3A_331] : memref<40xi32, #tpu.memory_space<vmem>> -> memref<24xi32, #tpu.memory_space<vmem>>
      %dma_start3A_333 = arith.constant 0 : i32
      %dma_start3A_334 = arith.constant 0 : i32
      %dma_start3A_335 = tpu.memref_slice %arg2[%dma_start3A_333, %dma_start3A_334] : memref<50000x40xf32, #tpu.memory_space<hbm>> -> memref<50000x40xf32, #tpu.memory_space<hbm>>
      tpu.enqueue_indirect_dma source(%dma_start3A_335 : memref<50000x40xf32, #tpu.memory_space<hbm>>) target(%dma_start3A_327 : memref<24x40xf32, #tpu.memory_space<vmem>>) offsets(%dma_start3A_332 : memref<24xi32, #tpu.memory_space<vmem>>) semaphore(%arg12 : memref<!tpu.dma_semaphore, #tpu.memory_space<semaphore_mem>>)
      %dma_start3A_336 = arith.constant 4 : i32
      %dma_start3A_337 = arith.constant 1 : i32
      %dma_start3A_338 = arith.constant 0 : i32
      %dma_start3A_339 = arith.constant 0 : i32
      %dma_start3A_340 = tpu.memref_slice %arg8[%dma_start3A_337, %dma_start3A_338, %dma_start3A_339] : memref<3x40x40xf32, #tpu.memory_space<vmem>> -> memref<1x40x40xf32, #tpu.memory_space<vmem>>
      %dma_start3A_341 = tpu.memref_squeeze %dma_start3A_340 : memref<1x40x40xf32, #tpu.memory_space<vmem>> -> memref<40x40xf32, #tpu.memory_space<vmem>>
      %dma_start3A_342 = arith.constant 24 : i32
      %dma_start3A_343 = arith.constant 0 : i32
      %dma_start3A_344 = tpu.memref_slice %dma_start3A_341[%dma_start3A_342, %dma_start3A_343] : memref<40x40xf32, #tpu.memory_space<vmem>> -> memref<16x40xf32, #tpu.memory_space<vmem>>
      %dma_start3A_345 = arith.constant 0 : i32
      %dma_start3A_346 = tpu.memref_slice %arg6[%dma_start3A_336, %dma_start3A_345] : memref<10x40xi32, #tpu.memory_space<vmem>> -> memref<1x40xi32, #tpu.memory_space<vmem>>
      %dma_start3A_347 = tpu.memref_squeeze %dma_start3A_346 : memref<1x40xi32, #tpu.memory_space<vmem>> -> memref<40xi32, #tpu.memory_space<vmem>>
      %dma_start3A_348 = arith.constant 24 : i32
      %dma_start3A_349 = tpu.memref_slice %dma_start3A_347[%dma_start3A_348] : memref<40xi32, #tpu.memory_space<vmem>> -> memref<16xi32, #tpu.memory_space<vmem>>
      %dma_start3A_350 = arith.constant 0 : i32
      %dma_start3A_351 = arith.constant 0 : i32
      %dma_start3A_352 = tpu.memref_slice %arg2[%dma_start3A_350, %dma_start3A_351] : memref<50000x40xf32, #tpu.memory_space<hbm>> -> memref<50000x40xf32, #tpu.memory_space<hbm>>
      tpu.enqueue_indirect_dma source(%dma_start3A_352 : memref<50000x40xf32, #tpu.memory_space<hbm>>) target(%dma_start3A_344 : memref<16x40xf32, #tpu.memory_space<vmem>>) offsets(%dma_start3A_349 : memref<16xi32, #tpu.memory_space<vmem>>) semaphore(%arg12 : memref<!tpu.dma_semaphore, #tpu.memory_space<semaphore_mem>>)
      %dma_wait3A_353 = arith.constant 2 : i32
      %dma_wait3A_354 = arith.constant 2 : i32
      %dma_wait3A_355 = arith.constant 0 : i32
      %dma_wait3A_356 = arith.constant 0 : i32
      %dma_wait3A_357 = tpu.memref_slice %arg8[%dma_wait3A_354, %dma_wait3A_355, %dma_wait3A_356] : memref<3x40x40xf32, #tpu.memory_space<vmem>> -> memref<1x40x40xf32, #tpu.memory_space<vmem>>
      %dma_wait3A_358 = tpu.memref_squeeze %dma_wait3A_357 : memref<1x40x40xf32, #tpu.memory_space<vmem>> -> memref<40x40xf32, #tpu.memory_space<vmem>>
      %dma_wait3A_359 = arith.constant 0 : i32
      %dma_wait3A_360 = arith.constant 0 : i32
      %dma_wait3A_361 = tpu.memref_slice %dma_wait3A_358[%dma_wait3A_359, %dma_wait3A_360] : memref<40x40xf32, #tpu.memory_space<vmem>> -> memref<24x40xf32, #tpu.memory_space<vmem>>
      %dma_wait3A_362 = arith.constant 0 : i32
      %dma_wait3A_363 = tpu.memref_slice %arg6[%dma_wait3A_353, %dma_wait3A_362] : memref<10x40xi32, #tpu.memory_space<vmem>> -> memref<1x40xi32, #tpu.memory_space<vmem>>
      %dma_wait3A_364 = tpu.memref_squeeze %dma_wait3A_363 : memref<1x40xi32, #tpu.memory_space<vmem>> -> memref<40xi32, #tpu.memory_space<vmem>>
      %dma_wait3A_365 = arith.constant 0 : i32
      %dma_wait3A_366 = tpu.memref_slice %dma_wait3A_364[%dma_wait3A_365] : memref<40xi32, #tpu.memory_space<vmem>> -> memref<24xi32, #tpu.memory_space<vmem>>
      %dma_wait3A_367 = arith.constant 0 : i32
      %dma_wait3A_368 = arith.constant 0 : i32
      %dma_wait3A_369 = tpu.memref_slice %arg2[%dma_wait3A_367, %dma_wait3A_368] : memref<50000x40xf32, #tpu.memory_space<hbm>> -> memref<50000x40xf32, #tpu.memory_space<hbm>>
      tpu.wait_indirect_dma semaphore(%arg13 : memref<!tpu.dma_semaphore, #tpu.memory_space<semaphore_mem>>) src(%dma_wait3A_369 : memref<50000x40xf32, #tpu.memory_space<hbm>>) dst(%dma_wait3A_361 : memref<24x40xf32, #tpu.memory_space<vmem>>)
      %dma_wait3A_370 = arith.constant 2 : i32
      %dma_wait3A_371 = arith.constant 2 : i32
      %dma_wait3A_372 = arith.constant 0 : i32
      %dma_wait3A_373 = arith.constant 0 : i32
      %dma_wait3A_374 = tpu.memref_slice %arg8[%dma_wait3A_371, %dma_wait3A_372, %dma_wait3A_373] : memref<3x40x40xf32, #tpu.memory_space<vmem>> -> memref<1x40x40xf32, #tpu.memory_space<vmem>>
      %dma_wait3A_375 = tpu.memref_squeeze %dma_wait3A_374 : memref<1x40x40xf32, #tpu.memory_space<vmem>> -> memref<40x40xf32, #tpu.memory_space<vmem>>
      %dma_wait3A_376 = arith.constant 24 : i32
      %dma_wait3A_377 = arith.constant 0 : i32
      %dma_wait3A_378 = tpu.memref_slice %dma_wait3A_375[%dma_wait3A_376, %dma_wait3A_377] : memref<40x40xf32, #tpu.memory_space<vmem>> -> memref<16x40xf32, #tpu.memory_space<vmem>>
      %dma_wait3A_379 = arith.constant 0 : i32
      %dma_wait3A_380 = tpu.memref_slice %arg6[%dma_wait3A_370, %dma_wait3A_379] : memref<10x40xi32, #tpu.memory_space<vmem>> -> memref<1x40xi32, #tpu.memory_space<vmem>>
      %dma_wait3A_381 = tpu.memref_squeeze %dma_wait3A_380 : memref<1x40xi32, #tpu.memory_space<vmem>> -> memref<40xi32, #tpu.memory_space<vmem>>
      %dma_wait3A_382 = arith.constant 24 : i32
      %dma_wait3A_383 = tpu.memref_slice %dma_wait3A_381[%dma_wait3A_382] : memref<40xi32, #tpu.memory_space<vmem>> -> memref<16xi32, #tpu.memory_space<vmem>>
      %dma_wait3A_384 = arith.constant 0 : i32
      %dma_wait3A_385 = arith.constant 0 : i32
      %dma_wait3A_386 = tpu.memref_slice %arg2[%dma_wait3A_384, %dma_wait3A_385] : memref<50000x40xf32, #tpu.memory_space<hbm>> -> memref<50000x40xf32, #tpu.memory_space<hbm>>
      tpu.wait_indirect_dma semaphore(%arg13 : memref<!tpu.dma_semaphore, #tpu.memory_space<semaphore_mem>>) src(%dma_wait3A_386 : memref<50000x40xf32, #tpu.memory_space<hbm>>) dst(%dma_wait3A_378 : memref<16x40xf32, #tpu.memory_space<vmem>>)
      %dma_start3A_387 = arith.constant 2 : i32
      %dma_start3A_388 = arith.constant 2 : i32
      %dma_start3A_389 = arith.constant 0 : i32
      %dma_start3A_390 = arith.constant 0 : i32
      %dma_start3A_391 = tpu.memref_slice %arg8[%dma_start3A_387, %dma_start3A_389, %dma_start3A_390] : memref<3x40x40xf32, #tpu.memory_space<vmem>> -> memref<1x40x40xf32, #tpu.memory_space<vmem>>
      %dma_start3A_392 = tpu.memref_squeeze %dma_start3A_391 : memref<1x40x40xf32, #tpu.memory_space<vmem>> -> memref<40x40xf32, #tpu.memory_space<vmem>>
      %dma_start3A_393 = arith.constant 0 : i32
      %dma_start3A_394 = tpu.memref_slice %arg7[%dma_start3A_388, %dma_start3A_393] : memref<10x40xi32, #tpu.memory_space<vmem>> -> memref<1x40xi32, #tpu.memory_space<vmem>>
      %dma_start3A_395 = tpu.memref_squeeze %dma_start3A_394 : memref<1x40xi32, #tpu.memory_space<vmem>> -> memref<40xi32, #tpu.memory_space<vmem>>
      %dma_start3A_396 = arith.constant 0 : i32
      %dma_start3A_397 = arith.constant 0 : i32
      %dma_start3A_398 = tpu.memref_slice %arg9[%dma_start3A_396, %dma_start3A_397] : memref<50000x40xf32, #tpu.memory_space<vmem_shared>> -> memref<50000x40xf32, #tpu.memory_space<vmem_shared>>
      tpu.enqueue_indirect_dma source(%dma_start3A_392 : memref<40x40xf32, #tpu.memory_space<vmem>>) target(%dma_start3A_398 : memref<50000x40xf32, #tpu.memory_space<vmem_shared>>) offsets(%dma_start3A_395 : memref<40xi32, #tpu.memory_space<vmem>>) semaphore(%arg16 : memref<!tpu.dma_semaphore, #tpu.memory_space<semaphore_mem>>) {add = true}
      %dma_wait3A_399 = arith.constant 2 : i32
      %dma_wait3A_400 = arith.constant 2 : i32
      %dma_wait3A_401 = arith.constant 0 : i32
      %dma_wait3A_402 = arith.constant 0 : i32
      %dma_wait3A_403 = tpu.memref_slice %arg8[%dma_wait3A_399, %dma_wait3A_401, %dma_wait3A_402] : memref<3x40x40xf32, #tpu.memory_space<vmem>> -> memref<1x40x40xf32, #tpu.memory_space<vmem>>
      %dma_wait3A_404 = tpu.memref_squeeze %dma_wait3A_403 : memref<1x40x40xf32, #tpu.memory_space<vmem>> -> memref<40x40xf32, #tpu.memory_space<vmem>>
      %dma_wait3A_405 = arith.constant 0 : i32
      %dma_wait3A_406 = tpu.memref_slice %arg7[%dma_wait3A_400, %dma_wait3A_405] : memref<10x40xi32, #tpu.memory_space<vmem>> -> memref<1x40xi32, #tpu.memory_space<vmem>>
      %dma_wait3A_407 = tpu.memref_squeeze %dma_wait3A_406 : memref<1x40xi32, #tpu.memory_space<vmem>> -> memref<40xi32, #tpu.memory_space<vmem>>
      %dma_wait3A_408 = arith.constant 0 : i32
      %dma_wait3A_409 = arith.constant 0 : i32
      %dma_wait3A_410 = tpu.memref_slice %arg9[%dma_wait3A_408, %dma_wait3A_409] : memref<50000x40xf32, #tpu.memory_space<vmem_shared>> -> memref<50000x40xf32, #tpu.memory_space<vmem_shared>>
      tpu.wait_indirect_dma semaphore(%arg16 : memref<!tpu.dma_semaphore, #tpu.memory_space<semaphore_mem>>) src(%dma_wait3A_404 : memref<40x40xf32, #tpu.memory_space<vmem>>) dst(%dma_wait3A_410 : memref<50000x40xf32, #tpu.memory_space<vmem_shared>>)
      %dma_start3A_411 = arith.constant 5 : i32
      %dma_start3A_412 = arith.constant 2 : i32
      %dma_start3A_413 = arith.constant 0 : i32
      %dma_start3A_414 = arith.constant 0 : i32
      %dma_start3A_415 = tpu.memref_slice %arg8[%dma_start3A_412, %dma_start3A_413, %dma_start3A_414] : memref<3x40x40xf32, #tpu.memory_space<vmem>> -> memref<1x40x40xf32, #tpu.memory_space<vmem>>
      %dma_start3A_416 = tpu.memref_squeeze %dma_start3A_415 : memref<1x40x40xf32, #tpu.memory_space<vmem>> -> memref<40x40xf32, #tpu.memory_space<vmem>>
      %dma_start3A_417 = arith.constant 0 : i32
      %dma_start3A_418 = arith.constant 0 : i32
      %dma_start3A_419 = tpu.memref_slice %dma_start3A_416[%dma_start3A_417, %dma_start3A_418] : memref<40x40xf32, #tpu.memory_space<vmem>> -> memref<24x40xf32, #tpu.memory_space<vmem>>
      %dma_start3A_420 = arith.constant 0 : i32
      %dma_start3A_421 = tpu.memref_slice %arg6[%dma_start3A_411, %dma_start3A_420] : memref<10x40xi32, #tpu.memory_space<vmem>> -> memref<1x40xi32, #tpu.memory_space<vmem>>
      %dma_start3A_422 = tpu.memref_squeeze %dma_start3A_421 : memref<1x40xi32, #tpu.memory_space<vmem>> -> memref<40xi32, #tpu.memory_space<vmem>>
      %dma_start3A_423 = arith.constant 0 : i32
      %dma_start3A_424 = tpu.memref_slice %dma_start3A_422[%dma_start3A_423] : memref<40xi32, #tpu.memory_space<vmem>> -> memref<24xi32, #tpu.memory_space<vmem>>
      %dma_start3A_425 = arith.constant 0 : i32
      %dma_start3A_426 = arith.constant 0 : i32
      %dma_start3A_427 = tpu.memref_slice %arg2[%dma_start3A_425, %dma_start3A_426] : memref<50000x40xf32, #tpu.memory_space<hbm>> -> memref<50000x40xf32, #tpu.memory_space<hbm>>
      tpu.enqueue_indirect_dma source(%dma_start3A_427 : memref<50000x40xf32, #tpu.memory_space<hbm>>) target(%dma_start3A_419 : memref<24x40xf32, #tpu.memory_space<vmem>>) offsets(%dma_start3A_424 : memref<24xi32, #tpu.memory_space<vmem>>) semaphore(%arg13 : memref<!tpu.dma_semaphore, #tpu.memory_space<semaphore_mem>>)
      %dma_start3A_428 = arith.constant 5 : i32
      %dma_start3A_429 = arith.constant 2 : i32
      %dma_start3A_430 = arith.constant 0 : i32
      %dma_start3A_431 = arith.constant 0 : i32
      %dma_start3A_432 = tpu.memref_slice %arg8[%dma_start3A_429, %dma_start3A_430, %dma_start3A_431] : memref<3x40x40xf32, #tpu.memory_space<vmem>> -> memref<1x40x40xf32, #tpu.memory_space<vmem>>
      %dma_start3A_433 = tpu.memref_squeeze %dma_start3A_432 : memref<1x40x40xf32, #tpu.memory_space<vmem>> -> memref<40x40xf32, #tpu.memory_space<vmem>>
      %dma_start3A_434 = arith.constant 24 : i32
      %dma_start3A_435 = arith.constant 0 : i32
      %dma_start3A_436 = tpu.memref_slice %dma_start3A_433[%dma_start3A_434, %dma_start3A_435] : memref<40x40xf32, #tpu.memory_space<vmem>> -> memref<16x40xf32, #tpu.memory_space<vmem>>
      %dma_start3A_437 = arith.constant 0 : i32
      %dma_start3A_438 = tpu.memref_slice %arg6[%dma_start3A_428, %dma_start3A_437] : memref<10x40xi32, #tpu.memory_space<vmem>> -> memref<1x40xi32, #tpu.memory_space<vmem>>
      %dma_start3A_439 = tpu.memref_squeeze %dma_start3A_438 : memref<1x40xi32, #tpu.memory_space<vmem>> -> memref<40xi32, #tpu.memory_space<vmem>>
      %dma_start3A_440 = arith.constant 24 : i32
      %dma_start3A_441 = tpu.memref_slice %dma_start3A_439[%dma_start3A_440] : memref<40xi32, #tpu.memory_space<vmem>> -> memref<16xi32, #tpu.memory_space<vmem>>
      %dma_start3A_442 = arith.constant 0 : i32
      %dma_start3A_443 = arith.constant 0 : i32
      %dma_start3A_444 = tpu.memref_slice %arg2[%dma_start3A_442, %dma_start3A_443] : memref<50000x40xf32, #tpu.memory_space<hbm>> -> memref<50000x40xf32, #tpu.memory_space<hbm>>
      tpu.enqueue_indirect_dma source(%dma_start3A_444 : memref<50000x40xf32, #tpu.memory_space<hbm>>) target(%dma_start3A_436 : memref<16x40xf32, #tpu.memory_space<vmem>>) offsets(%dma_start3A_441 : memref<16xi32, #tpu.memory_space<vmem>>) semaphore(%arg13 : memref<!tpu.dma_semaphore, #tpu.memory_space<semaphore_mem>>)
      %dma_wait3A_445 = arith.constant 3 : i32
      %dma_wait3A_446 = arith.constant 0 : i32
      %dma_wait3A_447 = arith.constant 0 : i32
      %dma_wait3A_448 = arith.constant 0 : i32
      %dma_wait3A_449 = tpu.memref_slice %arg8[%dma_wait3A_446, %dma_wait3A_447, %dma_wait3A_448] : memref<3x40x40xf32, #tpu.memory_space<vmem>> -> memref<1x40x40xf32, #tpu.memory_space<vmem>>
      %dma_wait3A_450 = tpu.memref_squeeze %dma_wait3A_449 : memref<1x40x40xf32, #tpu.memory_space<vmem>> -> memref<40x40xf32, #tpu.memory_space<vmem>>
      %dma_wait3A_451 = arith.constant 0 : i32
      %dma_wait3A_452 = arith.constant 0 : i32
      %dma_wait3A_453 = tpu.memref_slice %dma_wait3A_450[%dma_wait3A_451, %dma_wait3A_452] : memref<40x40xf32, #tpu.memory_space<vmem>> -> memref<24x40xf32, #tpu.memory_space<vmem>>
      %dma_wait3A_454 = arith.constant 0 : i32
      %dma_wait3A_455 = tpu.memref_slice %arg6[%dma_wait3A_445, %dma_wait3A_454] : memref<10x40xi32, #tpu.memory_space<vmem>> -> memref<1x40xi32, #tpu.memory_space<vmem>>
      %dma_wait3A_456 = tpu.memref_squeeze %dma_wait3A_455 : memref<1x40xi32, #tpu.memory_space<vmem>> -> memref<40xi32, #tpu.memory_space<vmem>>
      %dma_wait3A_457 = arith.constant 0 : i32
      %dma_wait3A_458 = tpu.memref_slice %dma_wait3A_456[%dma_wait3A_457] : memref<40xi32, #tpu.memory_space<vmem>> -> memref<24xi32, #tpu.memory_space<vmem>>
      %dma_wait3A_459 = arith.constant 0 : i32
      %dma_wait3A_460 = arith.constant 0 : i32
      %dma_wait3A_461 = tpu.memref_slice %arg2[%dma_wait3A_459, %dma_wait3A_460] : memref<50000x40xf32, #tpu.memory_space<hbm>> -> memref<50000x40xf32, #tpu.memory_space<hbm>>
      tpu.wait_indirect_dma semaphore(%arg11 : memref<!tpu.dma_semaphore, #tpu.memory_space<semaphore_mem>>) src(%dma_wait3A_461 : memref<50000x40xf32, #tpu.memory_space<hbm>>) dst(%dma_wait3A_453 : memref<24x40xf32, #tpu.memory_space<vmem>>)
      %dma_wait3A_462 = arith.constant 3 : i32
      %dma_wait3A_463 = arith.constant 0 : i32
      %dma_wait3A_464 = arith.constant 0 : i32
      %dma_wait3A_465 = arith.constant 0 : i32
      %dma_wait3A_466 = tpu.memref_slice %arg8[%dma_wait3A_463, %dma_wait3A_464, %dma_wait3A_465] : memref<3x40x40xf32, #tpu.memory_space<vmem>> -> memref<1x40x40xf32, #tpu.memory_space<vmem>>
      %dma_wait3A_467 = tpu.memref_squeeze %dma_wait3A_466 : memref<1x40x40xf32, #tpu.memory_space<vmem>> -> memref<40x40xf32, #tpu.memory_space<vmem>>
      %dma_wait3A_468 = arith.constant 24 : i32
      %dma_wait3A_469 = arith.constant 0 : i32
      %dma_wait3A_470 = tpu.memref_slice %dma_wait3A_467[%dma_wait3A_468, %dma_wait3A_469] : memref<40x40xf32, #tpu.memory_space<vmem>> -> memref<16x40xf32, #tpu.memory_space<vmem>>
      %dma_wait3A_471 = arith.constant 0 : i32
      %dma_wait3A_472 = tpu.memref_slice %arg6[%dma_wait3A_462, %dma_wait3A_471] : memref<10x40xi32, #tpu.memory_space<vmem>> -> memref<1x40xi32, #tpu.memory_space<vmem>>
      %dma_wait3A_473 = tpu.memref_squeeze %dma_wait3A_472 : memref<1x40xi32, #tpu.memory_space<vmem>> -> memref<40xi32, #tpu.memory_space<vmem>>
      %dma_wait3A_474 = arith.constant 24 : i32
      %dma_wait3A_475 = tpu.memref_slice %dma_wait3A_473[%dma_wait3A_474] : memref<40xi32, #tpu.memory_space<vmem>> -> memref<16xi32, #tpu.memory_space<vmem>>
      %dma_wait3A_476 = arith.constant 0 : i32
      %dma_wait3A_477 = arith.constant 0 : i32
      %dma_wait3A_478 = tpu.memref_slice %arg2[%dma_wait3A_476, %dma_wait3A_477] : memref<50000x40xf32, #tpu.memory_space<hbm>> -> memref<50000x40xf32, #tpu.memory_space<hbm>>
      tpu.wait_indirect_dma semaphore(%arg11 : memref<!tpu.dma_semaphore, #tpu.memory_space<semaphore_mem>>) src(%dma_wait3A_478 : memref<50000x40xf32, #tpu.memory_space<hbm>>) dst(%dma_wait3A_470 : memref<16x40xf32, #tpu.memory_space<vmem>>)
      %dma_start3A_479 = arith.constant 0 : i32
      %dma_start3A_480 = arith.constant 3 : i32
      %dma_start3A_481 = arith.constant 0 : i32
      %dma_start3A_482 = arith.constant 0 : i32
      %dma_start3A_483 = tpu.memref_slice %arg8[%dma_start3A_479, %dma_start3A_481, %dma_start3A_482] : memref<3x40x40xf32, #tpu.memory_space<vmem>> -> memref<1x40x40xf32, #tpu.memory_space<vmem>>
      %dma_start3A_484 = tpu.memref_squeeze %dma_start3A_483 : memref<1x40x40xf32, #tpu.memory_space<vmem>> -> memref<40x40xf32, #tpu.memory_space<vmem>>
      %dma_start3A_485 = arith.constant 0 : i32
      %dma_start3A_486 = tpu.memref_slice %arg7[%dma_start3A_480, %dma_start3A_485] : memref<10x40xi32, #tpu.memory_space<vmem>> -> memref<1x40xi32, #tpu.memory_space<vmem>>
      %dma_start3A_487 = tpu.memref_squeeze %dma_start3A_486 : memref<1x40xi32, #tpu.memory_space<vmem>> -> memref<40xi32, #tpu.memory_space<vmem>>
      %dma_start3A_488 = arith.constant 0 : i32
      %dma_start3A_489 = arith.constant 0 : i32
      %dma_start3A_490 = tpu.memref_slice %arg9[%dma_start3A_488, %dma_start3A_489] : memref<50000x40xf32, #tpu.memory_space<vmem_shared>> -> memref<50000x40xf32, #tpu.memory_space<vmem_shared>>
      tpu.enqueue_indirect_dma source(%dma_start3A_484 : memref<40x40xf32, #tpu.memory_space<vmem>>) target(%dma_start3A_490 : memref<50000x40xf32, #tpu.memory_space<vmem_shared>>) offsets(%dma_start3A_487 : memref<40xi32, #tpu.memory_space<vmem>>) semaphore(%arg14 : memref<!tpu.dma_semaphore, #tpu.memory_space<semaphore_mem>>) {add = true}
      %dma_wait3A_491 = arith.constant 0 : i32
      %dma_wait3A_492 = arith.constant 3 : i32
      %dma_wait3A_493 = arith.constant 0 : i32
      %dma_wait3A_494 = arith.constant 0 : i32
      %dma_wait3A_495 = tpu.memref_slice %arg8[%dma_wait3A_491, %dma_wait3A_493, %dma_wait3A_494] : memref<3x40x40xf32, #tpu.memory_space<vmem>> -> memref<1x40x40xf32, #tpu.memory_space<vmem>>
      %dma_wait3A_496 = tpu.memref_squeeze %dma_wait3A_495 : memref<1x40x40xf32, #tpu.memory_space<vmem>> -> memref<40x40xf32, #tpu.memory_space<vmem>>
      %dma_wait3A_497 = arith.constant 0 : i32
      %dma_wait3A_498 = tpu.memref_slice %arg7[%dma_wait3A_492, %dma_wait3A_497] : memref<10x40xi32, #tpu.memory_space<vmem>> -> memref<1x40xi32, #tpu.memory_space<vmem>>
      %dma_wait3A_499 = tpu.memref_squeeze %dma_wait3A_498 : memref<1x40xi32, #tpu.memory_space<vmem>> -> memref<40xi32, #tpu.memory_space<vmem>>
      %dma_wait3A_500 = arith.constant 0 : i32
      %dma_wait3A_501 = arith.constant 0 : i32
      %dma_wait3A_502 = tpu.memref_slice %arg9[%dma_wait3A_500, %dma_wait3A_501] : memref<50000x40xf32, #tpu.memory_space<vmem_shared>> -> memref<50000x40xf32, #tpu.memory_space<vmem_shared>>
      tpu.wait_indirect_dma semaphore(%arg14 : memref<!tpu.dma_semaphore, #tpu.memory_space<semaphore_mem>>) src(%dma_wait3A_496 : memref<40x40xf32, #tpu.memory_space<vmem>>) dst(%dma_wait3A_502 : memref<50000x40xf32, #tpu.memory_space<vmem_shared>>)
      %dma_start3A_503 = arith.constant 6 : i32
      %dma_start3A_504 = arith.constant 0 : i32
      %dma_start3A_505 = arith.constant 0 : i32
      %dma_start3A_506 = arith.constant 0 : i32
      %dma_start3A_507 = tpu.memref_slice %arg8[%dma_start3A_504, %dma_start3A_505, %dma_start3A_506] : memref<3x40x40xf32, #tpu.memory_space<vmem>> -> memref<1x40x40xf32, #tpu.memory_space<vmem>>
      %dma_start3A_508 = tpu.memref_squeeze %dma_start3A_507 : memref<1x40x40xf32, #tpu.memory_space<vmem>> -> memref<40x40xf32, #tpu.memory_space<vmem>>
      %dma_start3A_509 = arith.constant 0 : i32
      %dma_start3A_510 = arith.constant 0 : i32
      %dma_start3A_511 = tpu.memref_slice %dma_start3A_508[%dma_start3A_509, %dma_start3A_510] : memref<40x40xf32, #tpu.memory_space<vmem>> -> memref<24x40xf32, #tpu.memory_space<vmem>>
      %dma_start3A_512 = arith.constant 0 : i32
      %dma_start3A_513 = tpu.memref_slice %arg6[%dma_start3A_503, %dma_start3A_512] : memref<10x40xi32, #tpu.memory_space<vmem>> -> memref<1x40xi32, #tpu.memory_space<vmem>>
      %dma_start3A_514 = tpu.memref_squeeze %dma_start3A_513 : memref<1x40xi32, #tpu.memory_space<vmem>> -> memref<40xi32, #tpu.memory_space<vmem>>
      %dma_start3A_515 = arith.constant 0 : i32
      %dma_start3A_516 = tpu.memref_slice %dma_start3A_514[%dma_start3A_515] : memref<40xi32, #tpu.memory_space<vmem>> -> memref<24xi32, #tpu.memory_space<vmem>>
      %dma_start3A_517 = arith.constant 0 : i32
      %dma_start3A_518 = arith.constant 0 : i32
      %dma_start3A_519 = tpu.memref_slice %arg2[%dma_start3A_517, %dma_start3A_518] : memref<50000x40xf32, #tpu.memory_space<hbm>> -> memref<50000x40xf32, #tpu.memory_space<hbm>>
      tpu.enqueue_indirect_dma source(%dma_start3A_519 : memref<50000x40xf32, #tpu.memory_space<hbm>>) target(%dma_start3A_511 : memref<24x40xf32, #tpu.memory_space<vmem>>) offsets(%dma_start3A_516 : memref<24xi32, #tpu.memory_space<vmem>>) semaphore(%arg11 : memref<!tpu.dma_semaphore, #tpu.memory_space<semaphore_mem>>)
      %dma_start3A_520 = arith.constant 6 : i32
      %dma_start3A_521 = arith.constant 0 : i32
      %dma_start3A_522 = arith.constant 0 : i32
      %dma_start3A_523 = arith.constant 0 : i32
      %dma_start3A_524 = tpu.memref_slice %arg8[%dma_start3A_521, %dma_start3A_522, %dma_start3A_523] : memref<3x40x40xf32, #tpu.memory_space<vmem>> -> memref<1x40x40xf32, #tpu.memory_space<vmem>>
      %dma_start3A_525 = tpu.memref_squeeze %dma_start3A_524 : memref<1x40x40xf32, #tpu.memory_space<vmem>> -> memref<40x40xf32, #tpu.memory_space<vmem>>
      %dma_start3A_526 = arith.constant 24 : i32
      %dma_start3A_527 = arith.constant 0 : i32
      %dma_start3A_528 = tpu.memref_slice %dma_start3A_525[%dma_start3A_526, %dma_start3A_527] : memref<40x40xf32, #tpu.memory_space<vmem>> -> memref<16x40xf32, #tpu.memory_space<vmem>>
      %dma_start3A_529 = arith.constant 0 : i32
      %dma_start3A_530 = tpu.memref_slice %arg6[%dma_start3A_520, %dma_start3A_529] : memref<10x40xi32, #tpu.memory_space<vmem>> -> memref<1x40xi32, #tpu.memory_space<vmem>>
      %dma_start3A_531 = tpu.memref_squeeze %dma_start3A_530 : memref<1x40xi32, #tpu.memory_space<vmem>> -> memref<40xi32, #tpu.memory_space<vmem>>
      %dma_start3A_532 = arith.constant 24 : i32
      %dma_start3A_533 = tpu.memref_slice %dma_start3A_531[%dma_start3A_532] : memref<40xi32, #tpu.memory_space<vmem>> -> memref<16xi32, #tpu.memory_space<vmem>>
      %dma_start3A_534 = arith.constant 0 : i32
      %dma_start3A_535 = arith.constant 0 : i32
      %dma_start3A_536 = tpu.memref_slice %arg2[%dma_start3A_534, %dma_start3A_535] : memref<50000x40xf32, #tpu.memory_space<hbm>> -> memref<50000x40xf32, #tpu.memory_space<hbm>>
      tpu.enqueue_indirect_dma source(%dma_start3A_536 : memref<50000x40xf32, #tpu.memory_space<hbm>>) target(%dma_start3A_528 : memref<16x40xf32, #tpu.memory_space<vmem>>) offsets(%dma_start3A_533 : memref<16xi32, #tpu.memory_space<vmem>>) semaphore(%arg11 : memref<!tpu.dma_semaphore, #tpu.memory_space<semaphore_mem>>)
      %dma_wait3A_537 = arith.constant 4 : i32
      %dma_wait3A_538 = arith.constant 1 : i32
      %dma_wait3A_539 = arith.constant 0 : i32
      %dma_wait3A_540 = arith.constant 0 : i32
      %dma_wait3A_541 = tpu.memref_slice %arg8[%dma_wait3A_538, %dma_wait3A_539, %dma_wait3A_540] : memref<3x40x40xf32, #tpu.memory_space<vmem>> -> memref<1x40x40xf32, #tpu.memory_space<vmem>>
      %dma_wait3A_542 = tpu.memref_squeeze %dma_wait3A_541 : memref<1x40x40xf32, #tpu.memory_space<vmem>> -> memref<40x40xf32, #tpu.memory_space<vmem>>
      %dma_wait3A_543 = arith.constant 0 : i32
      %dma_wait3A_544 = arith.constant 0 : i32
      %dma_wait3A_545 = tpu.memref_slice %dma_wait3A_542[%dma_wait3A_543, %dma_wait3A_544] : memref<40x40xf32, #tpu.memory_space<vmem>> -> memref<24x40xf32, #tpu.memory_space<vmem>>
      %dma_wait3A_546 = arith.constant 0 : i32
      %dma_wait3A_547 = tpu.memref_slice %arg6[%dma_wait3A_537, %dma_wait3A_546] : memref<10x40xi32, #tpu.memory_space<vmem>> -> memref<1x40xi32, #tpu.memory_space<vmem>>
      %dma_wait3A_548 = tpu.memref_squeeze %dma_wait3A_547 : memref<1x40xi32, #tpu.memory_space<vmem>> -> memref<40xi32, #tpu.memory_space<vmem>>
      %dma_wait3A_549 = arith.constant 0 : i32
      %dma_wait3A_550 = tpu.memref_slice %dma_wait3A_548[%dma_wait3A_549] : memref<40xi32, #tpu.memory_space<vmem>> -> memref<24xi32, #tpu.memory_space<vmem>>
      %dma_wait3A_551 = arith.constant 0 : i32
      %dma_wait3A_552 = arith.constant 0 : i32
      %dma_wait3A_553 = tpu.memref_slice %arg2[%dma_wait3A_551, %dma_wait3A_552] : memref<50000x40xf32, #tpu.memory_space<hbm>> -> memref<50000x40xf32, #tpu.memory_space<hbm>>
      tpu.wait_indirect_dma semaphore(%arg12 : memref<!tpu.dma_semaphore, #tpu.memory_space<semaphore_mem>>) src(%dma_wait3A_553 : memref<50000x40xf32, #tpu.memory_space<hbm>>) dst(%dma_wait3A_545 : memref<24x40xf32, #tpu.memory_space<vmem>>)
      %dma_wait3A_554 = arith.constant 4 : i32
      %dma_wait3A_555 = arith.constant 1 : i32
      %dma_wait3A_556 = arith.constant 0 : i32
      %dma_wait3A_557 = arith.constant 0 : i32
      %dma_wait3A_558 = tpu.memref_slice %arg8[%dma_wait3A_555, %dma_wait3A_556, %dma_wait3A_557] : memref<3x40x40xf32, #tpu.memory_space<vmem>> -> memref<1x40x40xf32, #tpu.memory_space<vmem>>
      %dma_wait3A_559 = tpu.memref_squeeze %dma_wait3A_558 : memref<1x40x40xf32, #tpu.memory_space<vmem>> -> memref<40x40xf32, #tpu.memory_space<vmem>>
      %dma_wait3A_560 = arith.constant 24 : i32
      %dma_wait3A_561 = arith.constant 0 : i32
      %dma_wait3A_562 = tpu.memref_slice %dma_wait3A_559[%dma_wait3A_560, %dma_wait3A_561] : memref<40x40xf32, #tpu.memory_space<vmem>> -> memref<16x40xf32, #tpu.memory_space<vmem>>
      %dma_wait3A_563 = arith.constant 0 : i32
      %dma_wait3A_564 = tpu.memref_slice %arg6[%dma_wait3A_554, %dma_wait3A_563] : memref<10x40xi32, #tpu.memory_space<vmem>> -> memref<1x40xi32, #tpu.memory_space<vmem>>
      %dma_wait3A_565 = tpu.memref_squeeze %dma_wait3A_564 : memref<1x40xi32, #tpu.memory_space<vmem>> -> memref<40xi32, #tpu.memory_space<vmem>>
      %dma_wait3A_566 = arith.constant 24 : i32
      %dma_wait3A_567 = tpu.memref_slice %dma_wait3A_565[%dma_wait3A_566] : memref<40xi32, #tpu.memory_space<vmem>> -> memref<16xi32, #tpu.memory_space<vmem>>
      %dma_wait3A_568 = arith.constant 0 : i32
      %dma_wait3A_569 = arith.constant 0 : i32
      %dma_wait3A_570 = tpu.memref_slice %arg2[%dma_wait3A_568, %dma_wait3A_569] : memref<50000x40xf32, #tpu.memory_space<hbm>> -> memref<50000x40xf32, #tpu.memory_space<hbm>>
      tpu.wait_indirect_dma semaphore(%arg12 : memref<!tpu.dma_semaphore, #tpu.memory_space<semaphore_mem>>) src(%dma_wait3A_570 : memref<50000x40xf32, #tpu.memory_space<hbm>>) dst(%dma_wait3A_562 : memref<16x40xf32, #tpu.memory_space<vmem>>)
      %dma_start3A_571 = arith.constant 1 : i32
      %dma_start3A_572 = arith.constant 4 : i32
      %dma_start3A_573 = arith.constant 0 : i32
      %dma_start3A_574 = arith.constant 0 : i32
      %dma_start3A_575 = tpu.memref_slice %arg8[%dma_start3A_571, %dma_start3A_573, %dma_start3A_574] : memref<3x40x40xf32, #tpu.memory_space<vmem>> -> memref<1x40x40xf32, #tpu.memory_space<vmem>>
      %dma_start3A_576 = tpu.memref_squeeze %dma_start3A_575 : memref<1x40x40xf32, #tpu.memory_space<vmem>> -> memref<40x40xf32, #tpu.memory_space<vmem>>
      %dma_start3A_577 = arith.constant 0 : i32
      %dma_start3A_578 = tpu.memref_slice %arg7[%dma_start3A_572, %dma_start3A_577] : memref<10x40xi32, #tpu.memory_space<vmem>> -> memref<1x40xi32, #tpu.memory_space<vmem>>
      %dma_start3A_579 = tpu.memref_squeeze %dma_start3A_578 : memref<1x40xi32, #tpu.memory_space<vmem>> -> memref<40xi32, #tpu.memory_space<vmem>>
      %dma_start3A_580 = arith.constant 0 : i32
      %dma_start3A_581 = arith.constant 0 : i32
      %dma_start3A_582 = tpu.memref_slice %arg9[%dma_start3A_580, %dma_start3A_581] : memref<50000x40xf32, #tpu.memory_space<vmem_shared>> -> memref<50000x40xf32, #tpu.memory_space<vmem_shared>>
      tpu.enqueue_indirect_dma source(%dma_start3A_576 : memref<40x40xf32, #tpu.memory_space<vmem>>) target(%dma_start3A_582 : memref<50000x40xf32, #tpu.memory_space<vmem_shared>>) offsets(%dma_start3A_579 : memref<40xi32, #tpu.memory_space<vmem>>) semaphore(%arg15 : memref<!tpu.dma_semaphore, #tpu.memory_space<semaphore_mem>>) {add = true}
      %dma_wait3A_583 = arith.constant 1 : i32
      %dma_wait3A_584 = arith.constant 4 : i32
      %dma_wait3A_585 = arith.constant 0 : i32
      %dma_wait3A_586 = arith.constant 0 : i32
      %dma_wait3A_587 = tpu.memref_slice %arg8[%dma_wait3A_583, %dma_wait3A_585, %dma_wait3A_586] : memref<3x40x40xf32, #tpu.memory_space<vmem>> -> memref<1x40x40xf32, #tpu.memory_space<vmem>>
      %dma_wait3A_588 = tpu.memref_squeeze %dma_wait3A_587 : memref<1x40x40xf32, #tpu.memory_space<vmem>> -> memref<40x40xf32, #tpu.memory_space<vmem>>
      %dma_wait3A_589 = arith.constant 0 : i32
      %dma_wait3A_590 = tpu.memref_slice %arg7[%dma_wait3A_584, %dma_wait3A_589] : memref<10x40xi32, #tpu.memory_space<vmem>> -> memref<1x40xi32, #tpu.memory_space<vmem>>
      %dma_wait3A_591 = tpu.memref_squeeze %dma_wait3A_590 : memref<1x40xi32, #tpu.memory_space<vmem>> -> memref<40xi32, #tpu.memory_space<vmem>>
      %dma_wait3A_592 = arith.constant 0 : i32
      %dma_wait3A_593 = arith.constant 0 : i32
      %dma_wait3A_594 = tpu.memref_slice %arg9[%dma_wait3A_592, %dma_wait3A_593] : memref<50000x40xf32, #tpu.memory_space<vmem_shared>> -> memref<50000x40xf32, #tpu.memory_space<vmem_shared>>
      tpu.wait_indirect_dma semaphore(%arg15 : memref<!tpu.dma_semaphore, #tpu.memory_space<semaphore_mem>>) src(%dma_wait3A_588 : memref<40x40xf32, #tpu.memory_space<vmem>>) dst(%dma_wait3A_594 : memref<50000x40xf32, #tpu.memory_space<vmem_shared>>)
      %dma_start3A_595 = arith.constant 7 : i32
      %dma_start3A_596 = arith.constant 1 : i32
      %dma_start3A_597 = arith.constant 0 : i32
      %dma_start3A_598 = arith.constant 0 : i32
      %dma_start3A_599 = tpu.memref_slice %arg8[%dma_start3A_596, %dma_start3A_597, %dma_start3A_598] : memref<3x40x40xf32, #tpu.memory_space<vmem>> -> memref<1x40x40xf32, #tpu.memory_space<vmem>>
      %dma_start3A_600 = tpu.memref_squeeze %dma_start3A_599 : memref<1x40x40xf32, #tpu.memory_space<vmem>> -> memref<40x40xf32, #tpu.memory_space<vmem>>
      %dma_start3A_601 = arith.constant 0 : i32
      %dma_start3A_602 = arith.constant 0 : i32
      %dma_start3A_603 = tpu.memref_slice %dma_start3A_600[%dma_start3A_601, %dma_start3A_602] : memref<40x40xf32, #tpu.memory_space<vmem>> -> memref<24x40xf32, #tpu.memory_space<vmem>>
      %dma_start3A_604 = arith.constant 0 : i32
      %dma_start3A_605 = tpu.memref_slice %arg6[%dma_start3A_595, %dma_start3A_604] : memref<10x40xi32, #tpu.memory_space<vmem>> -> memref<1x40xi32, #tpu.memory_space<vmem>>
      %dma_start3A_606 = tpu.memref_squeeze %dma_start3A_605 : memref<1x40xi32, #tpu.memory_space<vmem>> -> memref<40xi32, #tpu.memory_space<vmem>>
      %dma_start3A_607 = arith.constant 0 : i32
      %dma_start3A_608 = tpu.memref_slice %dma_start3A_606[%dma_start3A_607] : memref<40xi32, #tpu.memory_space<vmem>> -> memref<24xi32, #tpu.memory_space<vmem>>
      %dma_start3A_609 = arith.constant 0 : i32
      %dma_start3A_610 = arith.constant 0 : i32
      %dma_start3A_611 = tpu.memref_slice %arg2[%dma_start3A_609, %dma_start3A_610] : memref<50000x40xf32, #tpu.memory_space<hbm>> -> memref<50000x40xf32, #tpu.memory_space<hbm>>
      tpu.enqueue_indirect_dma source(%dma_start3A_611 : memref<50000x40xf32, #tpu.memory_space<hbm>>) target(%dma_start3A_603 : memref<24x40xf32, #tpu.memory_space<vmem>>) offsets(%dma_start3A_608 : memref<24xi32, #tpu.memory_space<vmem>>) semaphore(%arg12 : memref<!tpu.dma_semaphore, #tpu.memory_space<semaphore_mem>>)
      %dma_start3A_612 = arith.constant 7 : i32
      %dma_start3A_613 = arith.constant 1 : i32
      %dma_start3A_614 = arith.constant 0 : i32
      %dma_start3A_615 = arith.constant 0 : i32
      %dma_start3A_616 = tpu.memref_slice %arg8[%dma_start3A_613, %dma_start3A_614, %dma_start3A_615] : memref<3x40x40xf32, #tpu.memory_space<vmem>> -> memref<1x40x40xf32, #tpu.memory_space<vmem>>
      %dma_start3A_617 = tpu.memref_squeeze %dma_start3A_616 : memref<1x40x40xf32, #tpu.memory_space<vmem>> -> memref<40x40xf32, #tpu.memory_space<vmem>>
      %dma_start3A_618 = arith.constant 24 : i32
      %dma_start3A_619 = arith.constant 0 : i32
      %dma_start3A_620 = tpu.memref_slice %dma_start3A_617[%dma_start3A_618, %dma_start3A_619] : memref<40x40xf32, #tpu.memory_space<vmem>> -> memref<16x40xf32, #tpu.memory_space<vmem>>
      %dma_start3A_621 = arith.constant 0 : i32
      %dma_start3A_622 = tpu.memref_slice %arg6[%dma_start3A_612, %dma_start3A_621] : memref<10x40xi32, #tpu.memory_space<vmem>> -> memref<1x40xi32, #tpu.memory_space<vmem>>
      %dma_start3A_623 = tpu.memref_squeeze %dma_start3A_622 : memref<1x40xi32, #tpu.memory_space<vmem>> -> memref<40xi32, #tpu.memory_space<vmem>>
      %dma_start3A_624 = arith.constant 24 : i32
      %dma_start3A_625 = tpu.memref_slice %dma_start3A_623[%dma_start3A_624] : memref<40xi32, #tpu.memory_space<vmem>> -> memref<16xi32, #tpu.memory_space<vmem>>
      %dma_start3A_626 = arith.constant 0 : i32
      %dma_start3A_627 = arith.constant 0 : i32
      %dma_start3A_628 = tpu.memref_slice %arg2[%dma_start3A_626, %dma_start3A_627] : memref<50000x40xf32, #tpu.memory_space<hbm>> -> memref<50000x40xf32, #tpu.memory_space<hbm>>
      tpu.enqueue_indirect_dma source(%dma_start3A_628 : memref<50000x40xf32, #tpu.memory_space<hbm>>) target(%dma_start3A_620 : memref<16x40xf32, #tpu.memory_space<vmem>>) offsets(%dma_start3A_625 : memref<16xi32, #tpu.memory_space<vmem>>) semaphore(%arg12 : memref<!tpu.dma_semaphore, #tpu.memory_space<semaphore_mem>>)
      %dma_wait3A_629 = arith.constant 5 : i32
      %dma_wait3A_630 = arith.constant 2 : i32
      %dma_wait3A_631 = arith.constant 0 : i32
      %dma_wait3A_632 = arith.constant 0 : i32
      %dma_wait3A_633 = tpu.memref_slice %arg8[%dma_wait3A_630, %dma_wait3A_631, %dma_wait3A_632] : memref<3x40x40xf32, #tpu.memory_space<vmem>> -> memref<1x40x40xf32, #tpu.memory_space<vmem>>
      %dma_wait3A_634 = tpu.memref_squeeze %dma_wait3A_633 : memref<1x40x40xf32, #tpu.memory_space<vmem>> -> memref<40x40xf32, #tpu.memory_space<vmem>>
      %dma_wait3A_635 = arith.constant 0 : i32
      %dma_wait3A_636 = arith.constant 0 : i32
      %dma_wait3A_637 = tpu.memref_slice %dma_wait3A_634[%dma_wait3A_635, %dma_wait3A_636] : memref<40x40xf32, #tpu.memory_space<vmem>> -> memref<24x40xf32, #tpu.memory_space<vmem>>
      %dma_wait3A_638 = arith.constant 0 : i32
      %dma_wait3A_639 = tpu.memref_slice %arg6[%dma_wait3A_629, %dma_wait3A_638] : memref<10x40xi32, #tpu.memory_space<vmem>> -> memref<1x40xi32, #tpu.memory_space<vmem>>
      %dma_wait3A_640 = tpu.memref_squeeze %dma_wait3A_639 : memref<1x40xi32, #tpu.memory_space<vmem>> -> memref<40xi32, #tpu.memory_space<vmem>>
      %dma_wait3A_641 = arith.constant 0 : i32
      %dma_wait3A_642 = tpu.memref_slice %dma_wait3A_640[%dma_wait3A_641] : memref<40xi32, #tpu.memory_space<vmem>> -> memref<24xi32, #tpu.memory_space<vmem>>
      %dma_wait3A_643 = arith.constant 0 : i32
      %dma_wait3A_644 = arith.constant 0 : i32
      %dma_wait3A_645 = tpu.memref_slice %arg2[%dma_wait3A_643, %dma_wait3A_644] : memref<50000x40xf32, #tpu.memory_space<hbm>> -> memref<50000x40xf32, #tpu.memory_space<hbm>>
      tpu.wait_indirect_dma semaphore(%arg13 : memref<!tpu.dma_semaphore, #tpu.memory_space<semaphore_mem>>) src(%dma_wait3A_645 : memref<50000x40xf32, #tpu.memory_space<hbm>>) dst(%dma_wait3A_637 : memref<24x40xf32, #tpu.memory_space<vmem>>)
      %dma_wait3A_646 = arith.constant 5 : i32
      %dma_wait3A_647 = arith.constant 2 : i32
      %dma_wait3A_648 = arith.constant 0 : i32
      %dma_wait3A_649 = arith.constant 0 : i32
      %dma_wait3A_650 = tpu.memref_slice %arg8[%dma_wait3A_647, %dma_wait3A_648, %dma_wait3A_649] : memref<3x40x40xf32, #tpu.memory_space<vmem>> -> memref<1x40x40xf32, #tpu.memory_space<vmem>>
      %dma_wait3A_651 = tpu.memref_squeeze %dma_wait3A_650 : memref<1x40x40xf32, #tpu.memory_space<vmem>> -> memref<40x40xf32, #tpu.memory_space<vmem>>
      %dma_wait3A_652 = arith.constant 24 : i32
      %dma_wait3A_653 = arith.constant 0 : i32
      %dma_wait3A_654 = tpu.memref_slice %dma_wait3A_651[%dma_wait3A_652, %dma_wait3A_653] : memref<40x40xf32, #tpu.memory_space<vmem>> -> memref<16x40xf32, #tpu.memory_space<vmem>>
      %dma_wait3A_655 = arith.constant 0 : i32
      %dma_wait3A_656 = tpu.memref_slice %arg6[%dma_wait3A_646, %dma_wait3A_655] : memref<10x40xi32, #tpu.memory_space<vmem>> -> memref<1x40xi32, #tpu.memory_space<vmem>>
      %dma_wait3A_657 = tpu.memref_squeeze %dma_wait3A_656 : memref<1x40xi32, #tpu.memory_space<vmem>> -> memref<40xi32, #tpu.memory_space<vmem>>
      %dma_wait3A_658 = arith.constant 24 : i32
      %dma_wait3A_659 = tpu.memref_slice %dma_wait3A_657[%dma_wait3A_658] : memref<40xi32, #tpu.memory_space<vmem>> -> memref<16xi32, #tpu.memory_space<vmem>>
      %dma_wait3A_660 = arith.constant 0 : i32
      %dma_wait3A_661 = arith.constant 0 : i32
      %dma_wait3A_662 = tpu.memref_slice %arg2[%dma_wait3A_660, %dma_wait3A_661] : memref<50000x40xf32, #tpu.memory_space<hbm>> -> memref<50000x40xf32, #tpu.memory_space<hbm>>
      tpu.wait_indirect_dma semaphore(%arg13 : memref<!tpu.dma_semaphore, #tpu.memory_space<semaphore_mem>>) src(%dma_wait3A_662 : memref<50000x40xf32, #tpu.memory_space<hbm>>) dst(%dma_wait3A_654 : memref<16x40xf32, #tpu.memory_space<vmem>>)
      %dma_start3A_663 = arith.constant 2 : i32
      %dma_start3A_664 = arith.constant 5 : i32
      %dma_start3A_665 = arith.constant 0 : i32
      %dma_start3A_666 = arith.constant 0 : i32
      %dma_start3A_667 = tpu.memref_slice %arg8[%dma_start3A_663, %dma_start3A_665, %dma_start3A_666] : memref<3x40x40xf32, #tpu.memory_space<vmem>> -> memref<1x40x40xf32, #tpu.memory_space<vmem>>
      %dma_start3A_668 = tpu.memref_squeeze %dma_start3A_667 : memref<1x40x40xf32, #tpu.memory_space<vmem>> -> memref<40x40xf32, #tpu.memory_space<vmem>>
      %dma_start3A_669 = arith.constant 0 : i32
      %dma_start3A_670 = tpu.memref_slice %arg7[%dma_start3A_664, %dma_start3A_669] : memref<10x40xi32, #tpu.memory_space<vmem>> -> memref<1x40xi32, #tpu.memory_space<vmem>>
      %dma_start3A_671 = tpu.memref_squeeze %dma_start3A_670 : memref<1x40xi32, #tpu.memory_space<vmem>> -> memref<40xi32, #tpu.memory_space<vmem>>
      %dma_start3A_672 = arith.constant 0 : i32
      %dma_start3A_673 = arith.constant 0 : i32
      %dma_start3A_674 = tpu.memref_slice %arg9[%dma_start3A_672, %dma_start3A_673] : memref<50000x40xf32, #tpu.memory_space<vmem_shared>> -> memref<50000x40xf32, #tpu.memory_space<vmem_shared>>
      tpu.enqueue_indirect_dma source(%dma_start3A_668 : memref<40x40xf32, #tpu.memory_space<vmem>>) target(%dma_start3A_674 : memref<50000x40xf32, #tpu.memory_space<vmem_shared>>) offsets(%dma_start3A_671 : memref<40xi32, #tpu.memory_space<vmem>>) semaphore(%arg16 : memref<!tpu.dma_semaphore, #tpu.memory_space<semaphore_mem>>) {add = true}
      %dma_wait3A_675 = arith.constant 2 : i32
      %dma_wait3A_676 = arith.constant 5 : i32
      %dma_wait3A_677 = arith.constant 0 : i32
      %dma_wait3A_678 = arith.constant 0 : i32
      %dma_wait3A_679 = tpu.memref_slice %arg8[%dma_wait3A_675, %dma_wait3A_677, %dma_wait3A_678] : memref<3x40x40xf32, #tpu.memory_space<vmem>> -> memref<1x40x40xf32, #tpu.memory_space<vmem>>
      %dma_wait3A_680 = tpu.memref_squeeze %dma_wait3A_679 : memref<1x40x40xf32, #tpu.memory_space<vmem>> -> memref<40x40xf32, #tpu.memory_space<vmem>>
      %dma_wait3A_681 = arith.constant 0 : i32
      %dma_wait3A_682 = tpu.memref_slice %arg7[%dma_wait3A_676, %dma_wait3A_681] : memref<10x40xi32, #tpu.memory_space<vmem>> -> memref<1x40xi32, #tpu.memory_space<vmem>>
      %dma_wait3A_683 = tpu.memref_squeeze %dma_wait3A_682 : memref<1x40xi32, #tpu.memory_space<vmem>> -> memref<40xi32, #tpu.memory_space<vmem>>
      %dma_wait3A_684 = arith.constant 0 : i32
      %dma_wait3A_685 = arith.constant 0 : i32
      %dma_wait3A_686 = tpu.memref_slice %arg9[%dma_wait3A_684, %dma_wait3A_685] : memref<50000x40xf32, #tpu.memory_space<vmem_shared>> -> memref<50000x40xf32, #tpu.memory_space<vmem_shared>>
      tpu.wait_indirect_dma semaphore(%arg16 : memref<!tpu.dma_semaphore, #tpu.memory_space<semaphore_mem>>) src(%dma_wait3A_680 : memref<40x40xf32, #tpu.memory_space<vmem>>) dst(%dma_wait3A_686 : memref<50000x40xf32, #tpu.memory_space<vmem_shared>>)
      %dma_start3A_687 = arith.constant 8 : i32
      %dma_start3A_688 = arith.constant 2 : i32
      %dma_start3A_689 = arith.constant 0 : i32
      %dma_start3A_690 = arith.constant 0 : i32
      %dma_start3A_691 = tpu.memref_slice %arg8[%dma_start3A_688, %dma_start3A_689, %dma_start3A_690] : memref<3x40x40xf32, #tpu.memory_space<vmem>> -> memref<1x40x40xf32, #tpu.memory_space<vmem>>
      %dma_start3A_692 = tpu.memref_squeeze %dma_start3A_691 : memref<1x40x40xf32, #tpu.memory_space<vmem>> -> memref<40x40xf32, #tpu.memory_space<vmem>>
      %dma_start3A_693 = arith.constant 0 : i32
      %dma_start3A_694 = arith.constant 0 : i32
      %dma_start3A_695 = tpu.memref_slice %dma_start3A_692[%dma_start3A_693, %dma_start3A_694] : memref<40x40xf32, #tpu.memory_space<vmem>> -> memref<24x40xf32, #tpu.memory_space<vmem>>
      %dma_start3A_696 = arith.constant 0 : i32
      %dma_start3A_697 = tpu.memref_slice %arg6[%dma_start3A_687, %dma_start3A_696] : memref<10x40xi32, #tpu.memory_space<vmem>> -> memref<1x40xi32, #tpu.memory_space<vmem>>
      %dma_start3A_698 = tpu.memref_squeeze %dma_start3A_697 : memref<1x40xi32, #tpu.memory_space<vmem>> -> memref<40xi32, #tpu.memory_space<vmem>>
      %dma_start3A_699 = arith.constant 0 : i32
      %dma_start3A_700 = tpu.memref_slice %dma_start3A_698[%dma_start3A_699] : memref<40xi32, #tpu.memory_space<vmem>> -> memref<24xi32, #tpu.memory_space<vmem>>
      %dma_start3A_701 = arith.constant 0 : i32
      %dma_start3A_702 = arith.constant 0 : i32
      %dma_start3A_703 = tpu.memref_slice %arg2[%dma_start3A_701, %dma_start3A_702] : memref<50000x40xf32, #tpu.memory_space<hbm>> -> memref<50000x40xf32, #tpu.memory_space<hbm>>
      tpu.enqueue_indirect_dma source(%dma_start3A_703 : memref<50000x40xf32, #tpu.memory_space<hbm>>) target(%dma_start3A_695 : memref<24x40xf32, #tpu.memory_space<vmem>>) offsets(%dma_start3A_700 : memref<24xi32, #tpu.memory_space<vmem>>) semaphore(%arg13 : memref<!tpu.dma_semaphore, #tpu.memory_space<semaphore_mem>>)
      %dma_start3A_704 = arith.constant 8 : i32
      %dma_start3A_705 = arith.constant 2 : i32
      %dma_start3A_706 = arith.constant 0 : i32
      %dma_start3A_707 = arith.constant 0 : i32
      %dma_start3A_708 = tpu.memref_slice %arg8[%dma_start3A_705, %dma_start3A_706, %dma_start3A_707] : memref<3x40x40xf32, #tpu.memory_space<vmem>> -> memref<1x40x40xf32, #tpu.memory_space<vmem>>
      %dma_start3A_709 = tpu.memref_squeeze %dma_start3A_708 : memref<1x40x40xf32, #tpu.memory_space<vmem>> -> memref<40x40xf32, #tpu.memory_space<vmem>>
      %dma_start3A_710 = arith.constant 24 : i32
      %dma_start3A_711 = arith.constant 0 : i32
      %dma_start3A_712 = tpu.memref_slice %dma_start3A_709[%dma_start3A_710, %dma_start3A_711] : memref<40x40xf32, #tpu.memory_space<vmem>> -> memref<16x40xf32, #tpu.memory_space<vmem>>
      %dma_start3A_713 = arith.constant 0 : i32
      %dma_start3A_714 = tpu.memref_slice %arg6[%dma_start3A_704, %dma_start3A_713] : memref<10x40xi32, #tpu.memory_space<vmem>> -> memref<1x40xi32, #tpu.memory_space<vmem>>
      %dma_start3A_715 = tpu.memref_squeeze %dma_start3A_714 : memref<1x40xi32, #tpu.memory_space<vmem>> -> memref<40xi32, #tpu.memory_space<vmem>>
      %dma_start3A_716 = arith.constant 24 : i32
      %dma_start3A_717 = tpu.memref_slice %dma_start3A_715[%dma_start3A_716] : memref<40xi32, #tpu.memory_space<vmem>> -> memref<16xi32, #tpu.memory_space<vmem>>
      %dma_start3A_718 = arith.constant 0 : i32
      %dma_start3A_719 = arith.constant 0 : i32
      %dma_start3A_720 = tpu.memref_slice %arg2[%dma_start3A_718, %dma_start3A_719] : memref<50000x40xf32, #tpu.memory_space<hbm>> -> memref<50000x40xf32, #tpu.memory_space<hbm>>
      tpu.enqueue_indirect_dma source(%dma_start3A_720 : memref<50000x40xf32, #tpu.memory_space<hbm>>) target(%dma_start3A_712 : memref<16x40xf32, #tpu.memory_space<vmem>>) offsets(%dma_start3A_717 : memref<16xi32, #tpu.memory_space<vmem>>) semaphore(%arg13 : memref<!tpu.dma_semaphore, #tpu.memory_space<semaphore_mem>>)
      %dma_wait3A_721 = arith.constant 6 : i32
      %dma_wait3A_722 = arith.constant 0 : i32
      %dma_wait3A_723 = arith.constant 0 : i32
      %dma_wait3A_724 = arith.constant 0 : i32
      %dma_wait3A_725 = tpu.memref_slice %arg8[%dma_wait3A_722, %dma_wait3A_723, %dma_wait3A_724] : memref<3x40x40xf32, #tpu.memory_space<vmem>> -> memref<1x40x40xf32, #tpu.memory_space<vmem>>
      %dma_wait3A_726 = tpu.memref_squeeze %dma_wait3A_725 : memref<1x40x40xf32, #tpu.memory_space<vmem>> -> memref<40x40xf32, #tpu.memory_space<vmem>>
      %dma_wait3A_727 = arith.constant 0 : i32
      %dma_wait3A_728 = arith.constant 0 : i32
      %dma_wait3A_729 = tpu.memref_slice %dma_wait3A_726[%dma_wait3A_727, %dma_wait3A_728] : memref<40x40xf32, #tpu.memory_space<vmem>> -> memref<24x40xf32, #tpu.memory_space<vmem>>
      %dma_wait3A_730 = arith.constant 0 : i32
      %dma_wait3A_731 = tpu.memref_slice %arg6[%dma_wait3A_721, %dma_wait3A_730] : memref<10x40xi32, #tpu.memory_space<vmem>> -> memref<1x40xi32, #tpu.memory_space<vmem>>
      %dma_wait3A_732 = tpu.memref_squeeze %dma_wait3A_731 : memref<1x40xi32, #tpu.memory_space<vmem>> -> memref<40xi32, #tpu.memory_space<vmem>>
      %dma_wait3A_733 = arith.constant 0 : i32
      %dma_wait3A_734 = tpu.memref_slice %dma_wait3A_732[%dma_wait3A_733] : memref<40xi32, #tpu.memory_space<vmem>> -> memref<24xi32, #tpu.memory_space<vmem>>
      %dma_wait3A_735 = arith.constant 0 : i32
      %dma_wait3A_736 = arith.constant 0 : i32
      %dma_wait3A_737 = tpu.memref_slice %arg2[%dma_wait3A_735, %dma_wait3A_736] : memref<50000x40xf32, #tpu.memory_space<hbm>> -> memref<50000x40xf32, #tpu.memory_space<hbm>>
      tpu.wait_indirect_dma semaphore(%arg11 : memref<!tpu.dma_semaphore, #tpu.memory_space<semaphore_mem>>) src(%dma_wait3A_737 : memref<50000x40xf32, #tpu.memory_space<hbm>>) dst(%dma_wait3A_729 : memref<24x40xf32, #tpu.memory_space<vmem>>)
      %dma_wait3A_738 = arith.constant 6 : i32
      %dma_wait3A_739 = arith.constant 0 : i32
      %dma_wait3A_740 = arith.constant 0 : i32
      %dma_wait3A_741 = arith.constant 0 : i32
      %dma_wait3A_742 = tpu.memref_slice %arg8[%dma_wait3A_739, %dma_wait3A_740, %dma_wait3A_741] : memref<3x40x40xf32, #tpu.memory_space<vmem>> -> memref<1x40x40xf32, #tpu.memory_space<vmem>>
      %dma_wait3A_743 = tpu.memref_squeeze %dma_wait3A_742 : memref<1x40x40xf32, #tpu.memory_space<vmem>> -> memref<40x40xf32, #tpu.memory_space<vmem>>
      %dma_wait3A_744 = arith.constant 24 : i32
      %dma_wait3A_745 = arith.constant 0 : i32
      %dma_wait3A_746 = tpu.memref_slice %dma_wait3A_743[%dma_wait3A_744, %dma_wait3A_745] : memref<40x40xf32, #tpu.memory_space<vmem>> -> memref<16x40xf32, #tpu.memory_space<vmem>>
      %dma_wait3A_747 = arith.constant 0 : i32
      %dma_wait3A_748 = tpu.memref_slice %arg6[%dma_wait3A_738, %dma_wait3A_747] : memref<10x40xi32, #tpu.memory_space<vmem>> -> memref<1x40xi32, #tpu.memory_space<vmem>>
      %dma_wait3A_749 = tpu.memref_squeeze %dma_wait3A_748 : memref<1x40xi32, #tpu.memory_space<vmem>> -> memref<40xi32, #tpu.memory_space<vmem>>
      %dma_wait3A_750 = arith.constant 24 : i32
      %dma_wait3A_751 = tpu.memref_slice %dma_wait3A_749[%dma_wait3A_750] : memref<40xi32, #tpu.memory_space<vmem>> -> memref<16xi32, #tpu.memory_space<vmem>>
      %dma_wait3A_752 = arith.constant 0 : i32
      %dma_wait3A_753 = arith.constant 0 : i32
      %dma_wait3A_754 = tpu.memref_slice %arg2[%dma_wait3A_752, %dma_wait3A_753] : memref<50000x40xf32, #tpu.memory_space<hbm>> -> memref<50000x40xf32, #tpu.memory_space<hbm>>
      tpu.wait_indirect_dma semaphore(%arg11 : memref<!tpu.dma_semaphore, #tpu.memory_space<semaphore_mem>>) src(%dma_wait3A_754 : memref<50000x40xf32, #tpu.memory_space<hbm>>) dst(%dma_wait3A_746 : memref<16x40xf32, #tpu.memory_space<vmem>>)
      %dma_start3A_755 = arith.constant 0 : i32
      %dma_start3A_756 = arith.constant 6 : i32
      %dma_start3A_757 = arith.constant 0 : i32
      %dma_start3A_758 = arith.constant 0 : i32
      %dma_start3A_759 = tpu.memref_slice %arg8[%dma_start3A_755, %dma_start3A_757, %dma_start3A_758] : memref<3x40x40xf32, #tpu.memory_space<vmem>> -> memref<1x40x40xf32, #tpu.memory_space<vmem>>
      %dma_start3A_760 = tpu.memref_squeeze %dma_start3A_759 : memref<1x40x40xf32, #tpu.memory_space<vmem>> -> memref<40x40xf32, #tpu.memory_space<vmem>>
      %dma_start3A_761 = arith.constant 0 : i32
      %dma_start3A_762 = tpu.memref_slice %arg7[%dma_start3A_756, %dma_start3A_761] : memref<10x40xi32, #tpu.memory_space<vmem>> -> memref<1x40xi32, #tpu.memory_space<vmem>>
      %dma_start3A_763 = tpu.memref_squeeze %dma_start3A_762 : memref<1x40xi32, #tpu.memory_space<vmem>> -> memref<40xi32, #tpu.memory_space<vmem>>
      %dma_start3A_764 = arith.constant 0 : i32
      %dma_start3A_765 = arith.constant 0 : i32
      %dma_start3A_766 = tpu.memref_slice %arg9[%dma_start3A_764, %dma_start3A_765] : memref<50000x40xf32, #tpu.memory_space<vmem_shared>> -> memref<50000x40xf32, #tpu.memory_space<vmem_shared>>
      tpu.enqueue_indirect_dma source(%dma_start3A_760 : memref<40x40xf32, #tpu.memory_space<vmem>>) target(%dma_start3A_766 : memref<50000x40xf32, #tpu.memory_space<vmem_shared>>) offsets(%dma_start3A_763 : memref<40xi32, #tpu.memory_space<vmem>>) semaphore(%arg14 : memref<!tpu.dma_semaphore, #tpu.memory_space<semaphore_mem>>) {add = true}
      %dma_wait3A_767 = arith.constant 0 : i32
      %dma_wait3A_768 = arith.constant 6 : i32
      %dma_wait3A_769 = arith.constant 0 : i32
      %dma_wait3A_770 = arith.constant 0 : i32
      %dma_wait3A_771 = tpu.memref_slice %arg8[%dma_wait3A_767, %dma_wait3A_769, %dma_wait3A_770] : memref<3x40x40xf32, #tpu.memory_space<vmem>> -> memref<1x40x40xf32, #tpu.memory_space<vmem>>
      %dma_wait3A_772 = tpu.memref_squeeze %dma_wait3A_771 : memref<1x40x40xf32, #tpu.memory_space<vmem>> -> memref<40x40xf32, #tpu.memory_space<vmem>>
      %dma_wait3A_773 = arith.constant 0 : i32
      %dma_wait3A_774 = tpu.memref_slice %arg7[%dma_wait3A_768, %dma_wait3A_773] : memref<10x40xi32, #tpu.memory_space<vmem>> -> memref<1x40xi32, #tpu.memory_space<vmem>>
      %dma_wait3A_775 = tpu.memref_squeeze %dma_wait3A_774 : memref<1x40xi32, #tpu.memory_space<vmem>> -> memref<40xi32, #tpu.memory_space<vmem>>
      %dma_wait3A_776 = arith.constant 0 : i32
      %dma_wait3A_777 = arith.constant 0 : i32
      %dma_wait3A_778 = tpu.memref_slice %arg9[%dma_wait3A_776, %dma_wait3A_777] : memref<50000x40xf32, #tpu.memory_space<vmem_shared>> -> memref<50000x40xf32, #tpu.memory_space<vmem_shared>>
      tpu.wait_indirect_dma semaphore(%arg14 : memref<!tpu.dma_semaphore, #tpu.memory_space<semaphore_mem>>) src(%dma_wait3A_772 : memref<40x40xf32, #tpu.memory_space<vmem>>) dst(%dma_wait3A_778 : memref<50000x40xf32, #tpu.memory_space<vmem_shared>>)
      %dma_start3A_779 = arith.constant 9 : i32
      %dma_start3A_780 = arith.constant 0 : i32
      %dma_start3A_781 = arith.constant 0 : i32
      %dma_start3A_782 = arith.constant 0 : i32
      %dma_start3A_783 = tpu.memref_slice %arg8[%dma_start3A_780, %dma_start3A_781, %dma_start3A_782] : memref<3x40x40xf32, #tpu.memory_space<vmem>> -> memref<1x40x40xf32, #tpu.memory_space<vmem>>
      %dma_start3A_784 = tpu.memref_squeeze %dma_start3A_783 : memref<1x40x40xf32, #tpu.memory_space<vmem>> -> memref<40x40xf32, #tpu.memory_space<vmem>>
      %dma_start3A_785 = arith.constant 0 : i32
      %dma_start3A_786 = arith.constant 0 : i32
      %dma_start3A_787 = tpu.memref_slice %dma_start3A_784[%dma_start3A_785, %dma_start3A_786] : memref<40x40xf32, #tpu.memory_space<vmem>> -> memref<24x40xf32, #tpu.memory_space<vmem>>
      %dma_start3A_788 = arith.constant 0 : i32
      %dma_start3A_789 = tpu.memref_slice %arg6[%dma_start3A_779, %dma_start3A_788] : memref<10x40xi32, #tpu.memory_space<vmem>> -> memref<1x40xi32, #tpu.memory_space<vmem>>
      %dma_start3A_790 = tpu.memref_squeeze %dma_start3A_789 : memref<1x40xi32, #tpu.memory_space<vmem>> -> memref<40xi32, #tpu.memory_space<vmem>>
      %dma_start3A_791 = arith.constant 0 : i32
      %dma_start3A_792 = tpu.memref_slice %dma_start3A_790[%dma_start3A_791] : memref<40xi32, #tpu.memory_space<vmem>> -> memref<24xi32, #tpu.memory_space<vmem>>
      %dma_start3A_793 = arith.constant 0 : i32
      %dma_start3A_794 = arith.constant 0 : i32
      %dma_start3A_795 = tpu.memref_slice %arg2[%dma_start3A_793, %dma_start3A_794] : memref<50000x40xf32, #tpu.memory_space<hbm>> -> memref<50000x40xf32, #tpu.memory_space<hbm>>
      tpu.enqueue_indirect_dma source(%dma_start3A_795 : memref<50000x40xf32, #tpu.memory_space<hbm>>) target(%dma_start3A_787 : memref<24x40xf32, #tpu.memory_space<vmem>>) offsets(%dma_start3A_792 : memref<24xi32, #tpu.memory_space<vmem>>) semaphore(%arg11 : memref<!tpu.dma_semaphore, #tpu.memory_space<semaphore_mem>>)
      %dma_start3A_796 = arith.constant 9 : i32
      %dma_start3A_797 = arith.constant 0 : i32
      %dma_start3A_798 = arith.constant 0 : i32
      %dma_start3A_799 = arith.constant 0 : i32
      %dma_start3A_800 = tpu.memref_slice %arg8[%dma_start3A_797, %dma_start3A_798, %dma_start3A_799] : memref<3x40x40xf32, #tpu.memory_space<vmem>> -> memref<1x40x40xf32, #tpu.memory_space<vmem>>
      %dma_start3A_801 = tpu.memref_squeeze %dma_start3A_800 : memref<1x40x40xf32, #tpu.memory_space<vmem>> -> memref<40x40xf32, #tpu.memory_space<vmem>>
      %dma_start3A_802 = arith.constant 24 : i32
      %dma_start3A_803 = arith.constant 0 : i32
      %dma_start3A_804 = tpu.memref_slice %dma_start3A_801[%dma_start3A_802, %dma_start3A_803] : memref<40x40xf32, #tpu.memory_space<vmem>> -> memref<16x40xf32, #tpu.memory_space<vmem>>
      %dma_start3A_805 = arith.constant 0 : i32
      %dma_start3A_806 = tpu.memref_slice %arg6[%dma_start3A_796, %dma_start3A_805] : memref<10x40xi32, #tpu.memory_space<vmem>> -> memref<1x40xi32, #tpu.memory_space<vmem>>
      %dma_start3A_807 = tpu.memref_squeeze %dma_start3A_806 : memref<1x40xi32, #tpu.memory_space<vmem>> -> memref<40xi32, #tpu.memory_space<vmem>>
      %dma_start3A_808 = arith.constant 24 : i32
      %dma_start3A_809 = tpu.memref_slice %dma_start3A_807[%dma_start3A_808] : memref<40xi32, #tpu.memory_space<vmem>> -> memref<16xi32, #tpu.memory_space<vmem>>
      %dma_start3A_810 = arith.constant 0 : i32
      %dma_start3A_811 = arith.constant 0 : i32
      %dma_start3A_812 = tpu.memref_slice %arg2[%dma_start3A_810, %dma_start3A_811] : memref<50000x40xf32, #tpu.memory_space<hbm>> -> memref<50000x40xf32, #tpu.memory_space<hbm>>
      tpu.enqueue_indirect_dma source(%dma_start3A_812 : memref<50000x40xf32, #tpu.memory_space<hbm>>) target(%dma_start3A_804 : memref<16x40xf32, #tpu.memory_space<vmem>>) offsets(%dma_start3A_809 : memref<16xi32, #tpu.memory_space<vmem>>) semaphore(%arg11 : memref<!tpu.dma_semaphore, #tpu.memory_space<semaphore_mem>>)
      %dma_wait3A_813 = arith.constant 7 : i32
      %dma_wait3A_814 = arith.constant 1 : i32
      %dma_wait3A_815 = arith.constant 0 : i32
      %dma_wait3A_816 = arith.constant 0 : i32
      %dma_wait3A_817 = tpu.memref_slice %arg8[%dma_wait3A_814, %dma_wait3A_815, %dma_wait3A_816] : memref<3x40x40xf32, #tpu.memory_space<vmem>> -> memref<1x40x40xf32, #tpu.memory_space<vmem>>
      %dma_wait3A_818 = tpu.memref_squeeze %dma_wait3A_817 : memref<1x40x40xf32, #tpu.memory_space<vmem>> -> memref<40x40xf32, #tpu.memory_space<vmem>>
      %dma_wait3A_819 = arith.constant 0 : i32
      %dma_wait3A_820 = arith.constant 0 : i32
      %dma_wait3A_821 = tpu.memref_slice %dma_wait3A_818[%dma_wait3A_819, %dma_wait3A_820] : memref<40x40xf32, #tpu.memory_space<vmem>> -> memref<24x40xf32, #tpu.memory_space<vmem>>
      %dma_wait3A_822 = arith.constant 0 : i32
      %dma_wait3A_823 = tpu.memref_slice %arg6[%dma_wait3A_813, %dma_wait3A_822] : memref<10x40xi32, #tpu.memory_space<vmem>> -> memref<1x40xi32, #tpu.memory_space<vmem>>
      %dma_wait3A_824 = tpu.memref_squeeze %dma_wait3A_823 : memref<1x40xi32, #tpu.memory_space<vmem>> -> memref<40xi32, #tpu.memory_space<vmem>>
      %dma_wait3A_825 = arith.constant 0 : i32
      %dma_wait3A_826 = tpu.memref_slice %dma_wait3A_824[%dma_wait3A_825] : memref<40xi32, #tpu.memory_space<vmem>> -> memref<24xi32, #tpu.memory_space<vmem>>
      %dma_wait3A_827 = arith.constant 0 : i32
      %dma_wait3A_828 = arith.constant 0 : i32
      %dma_wait3A_829 = tpu.memref_slice %arg2[%dma_wait3A_827, %dma_wait3A_828] : memref<50000x40xf32, #tpu.memory_space<hbm>> -> memref<50000x40xf32, #tpu.memory_space<hbm>>
      tpu.wait_indirect_dma semaphore(%arg12 : memref<!tpu.dma_semaphore, #tpu.memory_space<semaphore_mem>>) src(%dma_wait3A_829 : memref<50000x40xf32, #tpu.memory_space<hbm>>) dst(%dma_wait3A_821 : memref<24x40xf32, #tpu.memory_space<vmem>>)
      %dma_wait3A_830 = arith.constant 7 : i32
      %dma_wait3A_831 = arith.constant 1 : i32
      %dma_wait3A_832 = arith.constant 0 : i32
      %dma_wait3A_833 = arith.constant 0 : i32
      %dma_wait3A_834 = tpu.memref_slice %arg8[%dma_wait3A_831, %dma_wait3A_832, %dma_wait3A_833] : memref<3x40x40xf32, #tpu.memory_space<vmem>> -> memref<1x40x40xf32, #tpu.memory_space<vmem>>
      %dma_wait3A_835 = tpu.memref_squeeze %dma_wait3A_834 : memref<1x40x40xf32, #tpu.memory_space<vmem>> -> memref<40x40xf32, #tpu.memory_space<vmem>>
      %dma_wait3A_836 = arith.constant 24 : i32
      %dma_wait3A_837 = arith.constant 0 : i32
      %dma_wait3A_838 = tpu.memref_slice %dma_wait3A_835[%dma_wait3A_836, %dma_wait3A_837] : memref<40x40xf32, #tpu.memory_space<vmem>> -> memref<16x40xf32, #tpu.memory_space<vmem>>
      %dma_wait3A_839 = arith.constant 0 : i32
      %dma_wait3A_840 = tpu.memref_slice %arg6[%dma_wait3A_830, %dma_wait3A_839] : memref<10x40xi32, #tpu.memory_space<vmem>> -> memref<1x40xi32, #tpu.memory_space<vmem>>
      %dma_wait3A_841 = tpu.memref_squeeze %dma_wait3A_840 : memref<1x40xi32, #tpu.memory_space<vmem>> -> memref<40xi32, #tpu.memory_space<vmem>>
      %dma_wait3A_842 = arith.constant 24 : i32
      %dma_wait3A_843 = tpu.memref_slice %dma_wait3A_841[%dma_wait3A_842] : memref<40xi32, #tpu.memory_space<vmem>> -> memref<16xi32, #tpu.memory_space<vmem>>
      %dma_wait3A_844 = arith.constant 0 : i32
      %dma_wait3A_845 = arith.constant 0 : i32
      %dma_wait3A_846 = tpu.memref_slice %arg2[%dma_wait3A_844, %dma_wait3A_845] : memref<50000x40xf32, #tpu.memory_space<hbm>> -> memref<50000x40xf32, #tpu.memory_space<hbm>>
      tpu.wait_indirect_dma semaphore(%arg12 : memref<!tpu.dma_semaphore, #tpu.memory_space<semaphore_mem>>) src(%dma_wait3A_846 : memref<50000x40xf32, #tpu.memory_space<hbm>>) dst(%dma_wait3A_838 : memref<16x40xf32, #tpu.memory_space<vmem>>)
      %dma_start3A_847 = arith.constant 1 : i32
      %dma_start3A_848 = arith.constant 7 : i32
      %dma_start3A_849 = arith.constant 0 : i32
      %dma_start3A_850 = arith.constant 0 : i32
      %dma_start3A_851 = tpu.memref_slice %arg8[%dma_start3A_847, %dma_start3A_849, %dma_start3A_850] : memref<3x40x40xf32, #tpu.memory_space<vmem>> -> memref<1x40x40xf32, #tpu.memory_space<vmem>>
      %dma_start3A_852 = tpu.memref_squeeze %dma_start3A_851 : memref<1x40x40xf32, #tpu.memory_space<vmem>> -> memref<40x40xf32, #tpu.memory_space<vmem>>
      %dma_start3A_853 = arith.constant 0 : i32
      %dma_start3A_854 = tpu.memref_slice %arg7[%dma_start3A_848, %dma_start3A_853] : memref<10x40xi32, #tpu.memory_space<vmem>> -> memref<1x40xi32, #tpu.memory_space<vmem>>
      %dma_start3A_855 = tpu.memref_squeeze %dma_start3A_854 : memref<1x40xi32, #tpu.memory_space<vmem>> -> memref<40xi32, #tpu.memory_space<vmem>>
      %dma_start3A_856 = arith.constant 0 : i32
      %dma_start3A_857 = arith.constant 0 : i32
      %dma_start3A_858 = tpu.memref_slice %arg9[%dma_start3A_856, %dma_start3A_857] : memref<50000x40xf32, #tpu.memory_space<vmem_shared>> -> memref<50000x40xf32, #tpu.memory_space<vmem_shared>>
      tpu.enqueue_indirect_dma source(%dma_start3A_852 : memref<40x40xf32, #tpu.memory_space<vmem>>) target(%dma_start3A_858 : memref<50000x40xf32, #tpu.memory_space<vmem_shared>>) offsets(%dma_start3A_855 : memref<40xi32, #tpu.memory_space<vmem>>) semaphore(%arg15 : memref<!tpu.dma_semaphore, #tpu.memory_space<semaphore_mem>>) {add = true}
      %dma_wait3A_859 = arith.constant 8 : i32
      %dma_wait3A_860 = arith.constant 2 : i32
      %dma_wait3A_861 = arith.constant 0 : i32
      %dma_wait3A_862 = arith.constant 0 : i32
      %dma_wait3A_863 = tpu.memref_slice %arg8[%dma_wait3A_860, %dma_wait3A_861, %dma_wait3A_862] : memref<3x40x40xf32, #tpu.memory_space<vmem>> -> memref<1x40x40xf32, #tpu.memory_space<vmem>>
      %dma_wait3A_864 = tpu.memref_squeeze %dma_wait3A_863 : memref<1x40x40xf32, #tpu.memory_space<vmem>> -> memref<40x40xf32, #tpu.memory_space<vmem>>
      %dma_wait3A_865 = arith.constant 0 : i32
      %dma_wait3A_866 = arith.constant 0 : i32
      %dma_wait3A_867 = tpu.memref_slice %dma_wait3A_864[%dma_wait3A_865, %dma_wait3A_866] : memref<40x40xf32, #tpu.memory_space<vmem>> -> memref<24x40xf32, #tpu.memory_space<vmem>>
      %dma_wait3A_868 = arith.constant 0 : i32
      %dma_wait3A_869 = tpu.memref_slice %arg6[%dma_wait3A_859, %dma_wait3A_868] : memref<10x40xi32, #tpu.memory_space<vmem>> -> memref<1x40xi32, #tpu.memory_space<vmem>>
      %dma_wait3A_870 = tpu.memref_squeeze %dma_wait3A_869 : memref<1x40xi32, #tpu.memory_space<vmem>> -> memref<40xi32, #tpu.memory_space<vmem>>
      %dma_wait3A_871 = arith.constant 0 : i32
      %dma_wait3A_872 = tpu.memref_slice %dma_wait3A_870[%dma_wait3A_871] : memref<40xi32, #tpu.memory_space<vmem>> -> memref<24xi32, #tpu.memory_space<vmem>>
      %dma_wait3A_873 = arith.constant 0 : i32
      %dma_wait3A_874 = arith.constant 0 : i32
      %dma_wait3A_875 = tpu.memref_slice %arg2[%dma_wait3A_873, %dma_wait3A_874] : memref<50000x40xf32, #tpu.memory_space<hbm>> -> memref<50000x40xf32, #tpu.memory_space<hbm>>
      tpu.wait_indirect_dma semaphore(%arg13 : memref<!tpu.dma_semaphore, #tpu.memory_space<semaphore_mem>>) src(%dma_wait3A_875 : memref<50000x40xf32, #tpu.memory_space<hbm>>) dst(%dma_wait3A_867 : memref<24x40xf32, #tpu.memory_space<vmem>>)
      %dma_wait3A_876 = arith.constant 8 : i32
      %dma_wait3A_877 = arith.constant 2 : i32
      %dma_wait3A_878 = arith.constant 0 : i32
      %dma_wait3A_879 = arith.constant 0 : i32
      %dma_wait3A_880 = tpu.memref_slice %arg8[%dma_wait3A_877, %dma_wait3A_878, %dma_wait3A_879] : memref<3x40x40xf32, #tpu.memory_space<vmem>> -> memref<1x40x40xf32, #tpu.memory_space<vmem>>
      %dma_wait3A_881 = tpu.memref_squeeze %dma_wait3A_880 : memref<1x40x40xf32, #tpu.memory_space<vmem>> -> memref<40x40xf32, #tpu.memory_space<vmem>>
      %dma_wait3A_882 = arith.constant 24 : i32
      %dma_wait3A_883 = arith.constant 0 : i32
      %dma_wait3A_884 = tpu.memref_slice %dma_wait3A_881[%dma_wait3A_882, %dma_wait3A_883] : memref<40x40xf32, #tpu.memory_space<vmem>> -> memref<16x40xf32, #tpu.memory_space<vmem>>
      %dma_wait3A_885 = arith.constant 0 : i32
      %dma_wait3A_886 = tpu.memref_slice %arg6[%dma_wait3A_876, %dma_wait3A_885] : memref<10x40xi32, #tpu.memory_space<vmem>> -> memref<1x40xi32, #tpu.memory_space<vmem>>
      %dma_wait3A_887 = tpu.memref_squeeze %dma_wait3A_886 : memref<1x40xi32, #tpu.memory_space<vmem>> -> memref<40xi32, #tpu.memory_space<vmem>>
      %dma_wait3A_888 = arith.constant 24 : i32
      %dma_wait3A_889 = tpu.memref_slice %dma_wait3A_887[%dma_wait3A_888] : memref<40xi32, #tpu.memory_space<vmem>> -> memref<16xi32, #tpu.memory_space<vmem>>
      %dma_wait3A_890 = arith.constant 0 : i32
      %dma_wait3A_891 = arith.constant 0 : i32
      %dma_wait3A_892 = tpu.memref_slice %arg2[%dma_wait3A_890, %dma_wait3A_891] : memref<50000x40xf32, #tpu.memory_space<hbm>> -> memref<50000x40xf32, #tpu.memory_space<hbm>>
      tpu.wait_indirect_dma semaphore(%arg13 : memref<!tpu.dma_semaphore, #tpu.memory_space<semaphore_mem>>) src(%dma_wait3A_892 : memref<50000x40xf32, #tpu.memory_space<hbm>>) dst(%dma_wait3A_884 : memref<16x40xf32, #tpu.memory_space<vmem>>)
      %dma_start3A_893 = arith.constant 2 : i32
      %dma_start3A_894 = arith.constant 8 : i32
      %dma_start3A_895 = arith.constant 0 : i32
      %dma_start3A_896 = arith.constant 0 : i32
      %dma_start3A_897 = tpu.memref_slice %arg8[%dma_start3A_893, %dma_start3A_895, %dma_start3A_896] : memref<3x40x40xf32, #tpu.memory_space<vmem>> -> memref<1x40x40xf32, #tpu.memory_space<vmem>>
      %dma_start3A_898 = tpu.memref_squeeze %dma_start3A_897 : memref<1x40x40xf32, #tpu.memory_space<vmem>> -> memref<40x40xf32, #tpu.memory_space<vmem>>
      %dma_start3A_899 = arith.constant 0 : i32
      %dma_start3A_900 = tpu.memref_slice %arg7[%dma_start3A_894, %dma_start3A_899] : memref<10x40xi32, #tpu.memory_space<vmem>> -> memref<1x40xi32, #tpu.memory_space<vmem>>
      %dma_start3A_901 = tpu.memref_squeeze %dma_start3A_900 : memref<1x40xi32, #tpu.memory_space<vmem>> -> memref<40xi32, #tpu.memory_space<vmem>>
      %dma_start3A_902 = arith.constant 0 : i32
      %dma_start3A_903 = arith.constant 0 : i32
      %dma_start3A_904 = tpu.memref_slice %arg9[%dma_start3A_902, %dma_start3A_903] : memref<50000x40xf32, #tpu.memory_space<vmem_shared>> -> memref<50000x40xf32, #tpu.memory_space<vmem_shared>>
      tpu.enqueue_indirect_dma source(%dma_start3A_898 : memref<40x40xf32, #tpu.memory_space<vmem>>) target(%dma_start3A_904 : memref<50000x40xf32, #tpu.memory_space<vmem_shared>>) offsets(%dma_start3A_901 : memref<40xi32, #tpu.memory_space<vmem>>) semaphore(%arg16 : memref<!tpu.dma_semaphore, #tpu.memory_space<semaphore_mem>>) {add = true}
      %dma_wait3A_905 = arith.constant 9 : i32
      %dma_wait3A_906 = arith.constant 0 : i32
      %dma_wait3A_907 = arith.constant 0 : i32
      %dma_wait3A_908 = arith.constant 0 : i32
      %dma_wait3A_909 = tpu.memref_slice %arg8[%dma_wait3A_906, %dma_wait3A_907, %dma_wait3A_908] : memref<3x40x40xf32, #tpu.memory_space<vmem>> -> memref<1x40x40xf32, #tpu.memory_space<vmem>>
      %dma_wait3A_910 = tpu.memref_squeeze %dma_wait3A_909 : memref<1x40x40xf32, #tpu.memory_space<vmem>> -> memref<40x40xf32, #tpu.memory_space<vmem>>
      %dma_wait3A_911 = arith.constant 0 : i32
      %dma_wait3A_912 = arith.constant 0 : i32
      %dma_wait3A_913 = tpu.memref_slice %dma_wait3A_910[%dma_wait3A_911, %dma_wait3A_912] : memref<40x40xf32, #tpu.memory_space<vmem>> -> memref<24x40xf32, #tpu.memory_space<vmem>>
      %dma_wait3A_914 = arith.constant 0 : i32
      %dma_wait3A_915 = tpu.memref_slice %arg6[%dma_wait3A_905, %dma_wait3A_914] : memref<10x40xi32, #tpu.memory_space<vmem>> -> memref<1x40xi32, #tpu.memory_space<vmem>>
      %dma_wait3A_916 = tpu.memref_squeeze %dma_wait3A_915 : memref<1x40xi32, #tpu.memory_space<vmem>> -> memref<40xi32, #tpu.memory_space<vmem>>
      %dma_wait3A_917 = arith.constant 0 : i32
      %dma_wait3A_918 = tpu.memref_slice %dma_wait3A_916[%dma_wait3A_917] : memref<40xi32, #tpu.memory_space<vmem>> -> memref<24xi32, #tpu.memory_space<vmem>>
      %dma_wait3A_919 = arith.constant 0 : i32
      %dma_wait3A_920 = arith.constant 0 : i32
      %dma_wait3A_921 = tpu.memref_slice %arg2[%dma_wait3A_919, %dma_wait3A_920] : memref<50000x40xf32, #tpu.memory_space<hbm>> -> memref<50000x40xf32, #tpu.memory_space<hbm>>
      tpu.wait_indirect_dma semaphore(%arg11 : memref<!tpu.dma_semaphore, #tpu.memory_space<semaphore_mem>>) src(%dma_wait3A_921 : memref<50000x40xf32, #tpu.memory_space<hbm>>) dst(%dma_wait3A_913 : memref<24x40xf32, #tpu.memory_space<vmem>>)
      %dma_wait3A_922 = arith.constant 9 : i32
      %dma_wait3A_923 = arith.constant 0 : i32
      %dma_wait3A_924 = arith.constant 0 : i32
      %dma_wait3A_925 = arith.constant 0 : i32
      %dma_wait3A_926 = tpu.memref_slice %arg8[%dma_wait3A_923, %dma_wait3A_924, %dma_wait3A_925] : memref<3x40x40xf32, #tpu.memory_space<vmem>> -> memref<1x40x40xf32, #tpu.memory_space<vmem>>
      %dma_wait3A_927 = tpu.memref_squeeze %dma_wait3A_926 : memref<1x40x40xf32, #tpu.memory_space<vmem>> -> memref<40x40xf32, #tpu.memory_space<vmem>>
      %dma_wait3A_928 = arith.constant 24 : i32
      %dma_wait3A_929 = arith.constant 0 : i32
      %dma_wait3A_930 = tpu.memref_slice %dma_wait3A_927[%dma_wait3A_928, %dma_wait3A_929] : memref<40x40xf32, #tpu.memory_space<vmem>> -> memref<16x40xf32, #tpu.memory_space<vmem>>
      %dma_wait3A_931 = arith.constant 0 : i32
      %dma_wait3A_932 = tpu.memref_slice %arg6[%dma_wait3A_922, %dma_wait3A_931] : memref<10x40xi32, #tpu.memory_space<vmem>> -> memref<1x40xi32, #tpu.memory_space<vmem>>
      %dma_wait3A_933 = tpu.memref_squeeze %dma_wait3A_932 : memref<1x40xi32, #tpu.memory_space<vmem>> -> memref<40xi32, #tpu.memory_space<vmem>>
      %dma_wait3A_934 = arith.constant 24 : i32
      %dma_wait3A_935 = tpu.memref_slice %dma_wait3A_933[%dma_wait3A_934] : memref<40xi32, #tpu.memory_space<vmem>> -> memref<16xi32, #tpu.memory_space<vmem>>
      %dma_wait3A_936 = arith.constant 0 : i32
      %dma_wait3A_937 = arith.constant 0 : i32
      %dma_wait3A_938 = tpu.memref_slice %arg2[%dma_wait3A_936, %dma_wait3A_937] : memref<50000x40xf32, #tpu.memory_space<hbm>> -> memref<50000x40xf32, #tpu.memory_space<hbm>>
      tpu.wait_indirect_dma semaphore(%arg11 : memref<!tpu.dma_semaphore, #tpu.memory_space<semaphore_mem>>) src(%dma_wait3A_938 : memref<50000x40xf32, #tpu.memory_space<hbm>>) dst(%dma_wait3A_930 : memref<16x40xf32, #tpu.memory_space<vmem>>)
      %dma_start3A_939 = arith.constant 0 : i32
      %dma_start3A_940 = arith.constant 9 : i32
      %dma_start3A_941 = arith.constant 0 : i32
      %dma_start3A_942 = arith.constant 0 : i32
      %dma_start3A_943 = tpu.memref_slice %arg8[%dma_start3A_939, %dma_start3A_941, %dma_start3A_942] : memref<3x40x40xf32, #tpu.memory_space<vmem>> -> memref<1x40x40xf32, #tpu.memory_space<vmem>>
      %dma_start3A_944 = tpu.memref_squeeze %dma_start3A_943 : memref<1x40x40xf32, #tpu.memory_space<vmem>> -> memref<40x40xf32, #tpu.memory_space<vmem>>
      %dma_start3A_945 = arith.constant 0 : i32
      %dma_start3A_946 = tpu.memref_slice %arg7[%dma_start3A_940, %dma_start3A_945] : memref<10x40xi32, #tpu.memory_space<vmem>> -> memref<1x40xi32, #tpu.memory_space<vmem>>
      %dma_start3A_947 = tpu.memref_squeeze %dma_start3A_946 : memref<1x40xi32, #tpu.memory_space<vmem>> -> memref<40xi32, #tpu.memory_space<vmem>>
      %dma_start3A_948 = arith.constant 0 : i32
      %dma_start3A_949 = arith.constant 0 : i32
      %dma_start3A_950 = tpu.memref_slice %arg9[%dma_start3A_948, %dma_start3A_949] : memref<50000x40xf32, #tpu.memory_space<vmem_shared>> -> memref<50000x40xf32, #tpu.memory_space<vmem_shared>>
      tpu.enqueue_indirect_dma source(%dma_start3A_944 : memref<40x40xf32, #tpu.memory_space<vmem>>) target(%dma_start3A_950 : memref<50000x40xf32, #tpu.memory_space<vmem_shared>>) offsets(%dma_start3A_947 : memref<40xi32, #tpu.memory_space<vmem>>) semaphore(%arg14 : memref<!tpu.dma_semaphore, #tpu.memory_space<semaphore_mem>>) {add = true}
      %dma_wait3A_951 = arith.constant 1 : i32
      %dma_wait3A_952 = arith.constant 7 : i32
      %dma_wait3A_953 = arith.constant 0 : i32
      %dma_wait3A_954 = arith.constant 0 : i32
      %dma_wait3A_955 = tpu.memref_slice %arg8[%dma_wait3A_951, %dma_wait3A_953, %dma_wait3A_954] : memref<3x40x40xf32, #tpu.memory_space<vmem>> -> memref<1x40x40xf32, #tpu.memory_space<vmem>>
      %dma_wait3A_956 = tpu.memref_squeeze %dma_wait3A_955 : memref<1x40x40xf32, #tpu.memory_space<vmem>> -> memref<40x40xf32, #tpu.memory_space<vmem>>
      %dma_wait3A_957 = arith.constant 0 : i32
      %dma_wait3A_958 = tpu.memref_slice %arg7[%dma_wait3A_952, %dma_wait3A_957] : memref<10x40xi32, #tpu.memory_space<vmem>> -> memref<1x40xi32, #tpu.memory_space<vmem>>
      %dma_wait3A_959 = tpu.memref_squeeze %dma_wait3A_958 : memref<1x40xi32, #tpu.memory_space<vmem>> -> memref<40xi32, #tpu.memory_space<vmem>>
      %dma_wait3A_960 = arith.constant 0 : i32
      %dma_wait3A_961 = arith.constant 0 : i32
      %dma_wait3A_962 = tpu.memref_slice %arg9[%dma_wait3A_960, %dma_wait3A_961] : memref<50000x40xf32, #tpu.memory_space<vmem_shared>> -> memref<50000x40xf32, #tpu.memory_space<vmem_shared>>
      tpu.wait_indirect_dma semaphore(%arg15 : memref<!tpu.dma_semaphore, #tpu.memory_space<semaphore_mem>>) src(%dma_wait3A_956 : memref<40x40xf32, #tpu.memory_space<vmem>>) dst(%dma_wait3A_962 : memref<50000x40xf32, #tpu.memory_space<vmem_shared>>)
      %dma_wait3A_963 = arith.constant 2 : i32
      %dma_wait3A_964 = arith.constant 8 : i32
      %dma_wait3A_965 = arith.constant 0 : i32
      %dma_wait3A_966 = arith.constant 0 : i32
      %dma_wait3A_967 = tpu.memref_slice %arg8[%dma_wait3A_963, %dma_wait3A_965, %dma_wait3A_966] : memref<3x40x40xf32, #tpu.memory_space<vmem>> -> memref<1x40x40xf32, #tpu.memory_space<vmem>>
      %dma_wait3A_968 = tpu.memref_squeeze %dma_wait3A_967 : memref<1x40x40xf32, #tpu.memory_space<vmem>> -> memref<40x40xf32, #tpu.memory_space<vmem>>
      %dma_wait3A_969 = arith.constant 0 : i32
      %dma_wait3A_970 = tpu.memref_slice %arg7[%dma_wait3A_964, %dma_wait3A_969] : memref<10x40xi32, #tpu.memory_space<vmem>> -> memref<1x40xi32, #tpu.memory_space<vmem>>
      %dma_wait3A_971 = tpu.memref_squeeze %dma_wait3A_970 : memref<1x40xi32, #tpu.memory_space<vmem>> -> memref<40xi32, #tpu.memory_space<vmem>>
      %dma_wait3A_972 = arith.constant 0 : i32
      %dma_wait3A_973 = arith.constant 0 : i32
      %dma_wait3A_974 = tpu.memref_slice %arg9[%dma_wait3A_972, %dma_wait3A_973] : memref<50000x40xf32, #tpu.memory_space<vmem_shared>> -> memref<50000x40xf32, #tpu.memory_space<vmem_shared>>
      tpu.wait_indirect_dma semaphore(%arg16 : memref<!tpu.dma_semaphore, #tpu.memory_space<semaphore_mem>>) src(%dma_wait3A_968 : memref<40x40xf32, #tpu.memory_space<vmem>>) dst(%dma_wait3A_974 : memref<50000x40xf32, #tpu.memory_space<vmem_shared>>)
      %dma_wait3A_975 = arith.constant 0 : i32
      %dma_wait3A_976 = arith.constant 9 : i32
      %dma_wait3A_977 = arith.constant 0 : i32
      %dma_wait3A_978 = arith.constant 0 : i32
      %dma_wait3A_979 = tpu.memref_slice %arg8[%dma_wait3A_975, %dma_wait3A_977, %dma_wait3A_978] : memref<3x40x40xf32, #tpu.memory_space<vmem>> -> memref<1x40x40xf32, #tpu.memory_space<vmem>>
      %dma_wait3A_980 = tpu.memref_squeeze %dma_wait3A_979 : memref<1x40x40xf32, #tpu.memory_space<vmem>> -> memref<40x40xf32, #tpu.memory_space<vmem>>
      %dma_wait3A_981 = arith.constant 0 : i32
      %dma_wait3A_982 = tpu.memref_slice %arg7[%dma_wait3A_976, %dma_wait3A_981] : memref<10x40xi32, #tpu.memory_space<vmem>> -> memref<1x40xi32, #tpu.memory_space<vmem>>
      %dma_wait3A_983 = tpu.memref_squeeze %dma_wait3A_982 : memref<1x40xi32, #tpu.memory_space<vmem>> -> memref<40xi32, #tpu.memory_space<vmem>>
      %dma_wait3A_984 = arith.constant 0 : i32
      %dma_wait3A_985 = arith.constant 0 : i32
      %dma_wait3A_986 = tpu.memref_slice %arg9[%dma_wait3A_984, %dma_wait3A_985] : memref<50000x40xf32, #tpu.memory_space<vmem_shared>> -> memref<50000x40xf32, #tpu.memory_space<vmem_shared>>
      tpu.wait_indirect_dma semaphore(%arg14 : memref<!tpu.dma_semaphore, #tpu.memory_space<semaphore_mem>>) src(%dma_wait3A_980 : memref<40x40xf32, #tpu.memory_space<vmem>>) dst(%dma_wait3A_986 : memref<50000x40xf32, #tpu.memory_space<vmem_shared>>)
    }
    %scan3A_12 = arith.constant 125 : i32
    %barrier3A_13 = arith.constant 0 : index
    tpu.barrier barrier_id(%barrier3A_13)
    "tpu.region"() ({
      %run_scoped3A = tpu.sem_alloc : memref<!tpu.dma_semaphore, #tpu.memory_space<semaphore_mem>>
      %dma_start3A = arith.constant 0 : i32
      %dma_start3A_14 = tpu.memref_slice %arg5[%arg0, %min3A_3, %dma_start3A] : memref<2x50000x40xf32, #tpu.memory_space<hbm>> -> memref<1x3128x40xf32, #tpu.memory_space<hbm>>
      %dma_start3A_15 = tpu.memref_squeeze %dma_start3A_14 : memref<1x3128x40xf32, #tpu.memory_space<hbm>> -> memref<3128x40xf32, #tpu.memory_space<hbm>>
      %dma_start3A_16 = arith.constant 0 : i32
      %dma_start3A_17 = tpu.memref_slice %arg9[%min3A_3, %dma_start3A_16] : memref<50000x40xf32, #tpu.memory_space<vmem_shared>> -> memref<3128x40xf32, #tpu.memory_space<vmem_shared>>
      tpu.enqueue_dma source(%dma_start3A_17 : memref<3128x40xf32, #tpu.memory_space<vmem_shared>>) target(%dma_start3A_15 : memref<3128x40xf32, #tpu.memory_space<hbm>>) target_semaphore(%run_scoped3A : memref<!tpu.dma_semaphore, #tpu.memory_space<semaphore_mem>>)
      %dma_wait3A = arith.constant 0 : i32
      %dma_wait3A_18 = tpu.memref_slice %arg5[%arg0, %min3A_3, %dma_wait3A] : memref<2x50000x40xf32, #tpu.memory_space<hbm>> -> memref<1x3128x40xf32, #tpu.memory_space<hbm>>
      %dma_wait3A_19 = tpu.memref_squeeze %dma_wait3A_18 : memref<1x3128x40xf32, #tpu.memory_space<hbm>> -> memref<3128x40xf32, #tpu.memory_space<hbm>>
      %dma_wait3A_20 = arith.constant 0 : i32
      %dma_wait3A_21 = tpu.memref_slice %arg9[%min3A_3, %dma_wait3A_20] : memref<50000x40xf32, #tpu.memory_space<vmem_shared>> -> memref<3128x40xf32, #tpu.memory_space<vmem_shared>>
      tpu.wait_dma2 semaphore(%run_scoped3A : memref<!tpu.dma_semaphore, #tpu.memory_space<semaphore_mem>>) src(%dma_wait3A_21 : memref<3128x40xf32, #tpu.memory_space<vmem_shared>>) dst(%dma_wait3A_19 : memref<3128x40xf32, #tpu.memory_space<hbm>>)
      tpu.yield
    }) : () -> ()
    return
  }
}

module attributes {stable_mosaic.version = 14 : i64} {
  func.func @_tc_combine_body(%arg0: i32, %arg1: memref<2x5000x40xf32, #tpu.memory_space<vmem>>, %arg2: memref<5000x33xf32, #tpu.memory_space<vmem>>, %arg3: memref<40x33xf32, #tpu.memory_space<vmem>>, %arg4: memref<33x33xf32, #tpu.memory_space<vmem>>, %arg5: memref<1x33xf32, #tpu.memory_space<vmem>>, %arg6: memref<5000x33xf32, #tpu.memory_space<vmem>>) attributes {dimension_semantics = [#tpu.dimension_semantics<arbitrary>], iteration_bounds = array<i64: 10>, scalar_prefetch = 0 : i64, scratch_operands = 0 : i64, tpu.core_type = #tpu.core_type<tc>, window_params = [{transform_indices = @transform_0, window_bounds = array<i64: 2, 5000, 40>}, {transform_indices = @transform_1, window_bounds = array<i64: 5000, 33>}, {pipeline_mode = #tpu.pipeline_mode<synchronous>, transform_indices = @transform_2, window_bounds = array<i64: 40, 33>}, {pipeline_mode = #tpu.pipeline_mode<synchronous>, transform_indices = @transform_3, window_bounds = array<i64: 33, 33>}, {pipeline_mode = #tpu.pipeline_mode<synchronous>, transform_indices = @transform_4, window_bounds = array<i64: 1, 33>}, {transform_indices = @transform_5, window_bounds = array<i64: 5000, 33>}]} {
    %get3A = arith.constant 0 : index
    %get3A_0 = arith.constant 0 : index
    %get3A_1 = arith.constant 0 : index
    %get3A_2 = vector.load %arg1[%get3A, %get3A_0, %get3A_1] : memref<2x5000x40xf32, #tpu.memory_space<vmem>>, vector<1x5000x40xf32>
    %get3A_3 = vector.shape_cast %get3A_2 : vector<1x5000x40xf32> to vector<5000x40xf32>
    %get3A_4 = arith.constant 1 : index
    %get3A_5 = arith.constant 0 : index
    %get3A_6 = arith.constant 0 : index
    %get3A_7 = vector.load %arg1[%get3A_4, %get3A_5, %get3A_6] : memref<2x5000x40xf32, #tpu.memory_space<vmem>>, vector<1x5000x40xf32>
    %get3A_8 = vector.shape_cast %get3A_7 : vector<1x5000x40xf32> to vector<5000x40xf32>
    %add3A = arith.addf %get3A_3, %get3A_8 : vector<5000x40xf32>
    %get3A_9 = arith.constant 0 : index
    %get3A_10 = arith.constant 0 : index
    %get3A_11 = vector.load %arg3[%get3A_9, %get3A_10] : memref<40x33xf32, #tpu.memory_space<vmem>>, vector<40x33xf32>
    %dot_general3A = arith.constant dense<0.000000e+00> : vector<5000x33xf32>
    %dot_general3A_12 = tpu.matmul %add3A, %get3A_11, %dot_general3A {dimension_numbers = #tpu.dot_dimension_numbers<[1], [0], [0], [1], [0, 0, 1, 1], [], []>, transpose_lhs_hint = false} : vector<5000x40xf32>, vector<40x33xf32>, vector<5000x33xf32> -> vector<5000x33xf32>
    %get3A_13 = arith.constant 0 : index
    %get3A_14 = arith.constant 0 : index
    %get3A_15 = vector.load %arg2[%get3A_13, %get3A_14] : memref<5000x33xf32, #tpu.memory_space<vmem>>, vector<5000x33xf32>
    %get3A_16 = arith.constant 0 : index
    %get3A_17 = arith.constant 0 : index
    %get3A_18 = vector.load %arg4[%get3A_16, %get3A_17] : memref<33x33xf32, #tpu.memory_space<vmem>>, vector<33x33xf32>
    %dot_general3A_19 = arith.constant dense<0.000000e+00> : vector<5000x33xf32>
    %dot_general3A_20 = tpu.matmul %get3A_15, %get3A_18, %dot_general3A_19 {dimension_numbers = #tpu.dot_dimension_numbers<[1], [0], [0], [1], [0, 0, 1, 1], [], []>, transpose_lhs_hint = false} : vector<5000x33xf32>, vector<33x33xf32>, vector<5000x33xf32> -> vector<5000x33xf32>
    %add3A_21 = arith.addf %dot_general3A_12, %dot_general3A_20 : vector<5000x33xf32>
    %get3A_22 = arith.constant 0 : index
    %get3A_23 = arith.constant 0 : index
    %get3A_24 = vector.load %arg5[%get3A_22, %get3A_23] : memref<1x33xf32, #tpu.memory_space<vmem>>, vector<1x33xf32>
    %add3A_25 = vector.broadcast %get3A_24 : vector<1x33xf32> to vector<5000x33xf32>
    %add3A_26 = arith.addf %add3A_21, %add3A_25 : vector<5000x33xf32>
    %max3A = arith.constant 0.000000e+00 : f32
    %max3A_27 = vector.broadcast %max3A : f32 to vector<5000x33xf32>
    %max3A_28 = arith.maximumf %add3A_26, %max3A_27 : vector<5000x33xf32>
    %swap3A = arith.constant 0 : index
    %swap3A_29 = arith.constant 0 : index
    %swap3A_30 = vector.load %arg6[%swap3A, %swap3A_29] : memref<5000x33xf32, #tpu.memory_space<vmem>>, vector<5000x33xf32>
    tpu.vector_store %arg6[%swap3A, %swap3A_29], %max3A_28 {strides = array<i32>} : memref<5000x33xf32, #tpu.memory_space<vmem>>, vector<5000x33xf32>,
    return
  }
  func.func @transform_0(%arg0: i32) -> (i32, i32, i32) {
    %c0_i32 = arith.constant 0 : i32
    %c0_i32_0 = arith.constant 0 : i32
    %c0_i32_1 = arith.constant 0 : i32
    return %c0_i32, %arg0, %c0_i32_0 : i32, i32, i32
  }
  func.func @transform_1(%arg0: i32) -> (i32, i32) {
    %c0_i32 = arith.constant 0 : i32
    %c0_i32_0 = arith.constant 0 : i32
    return %arg0, %c0_i32 : i32, i32
  }
  func.func @transform_2(%arg0: i32) -> (i32, i32) {
    %c0_i32 = arith.constant 0 : i32
    %c0_i32_0 = arith.constant 0 : i32
    %c0_i32_1 = arith.constant 0 : i32
    return %c0_i32, %c0_i32_0 : i32, i32
  }
  func.func @transform_3(%arg0: i32) -> (i32, i32) {
    %c0_i32 = arith.constant 0 : i32
    %c0_i32_0 = arith.constant 0 : i32
    %c0_i32_1 = arith.constant 0 : i32
    return %c0_i32, %c0_i32_0 : i32, i32
  }
  func.func @transform_4(%arg0: i32) -> (i32, i32) {
    %c0_i32 = arith.constant 0 : i32
    %c0_i32_0 = arith.constant 0 : i32
    %c0_i32_1 = arith.constant 0 : i32
    return %c0_i32, %c0_i32_0 : i32, i32
  }
  func.func @transform_5(%arg0: i32) -> (i32, i32) {
    %c0_i32 = arith.constant 0 : i32
    %c0_i32_0 = arith.constant 0 : i32
    return %arg0, %c0_i32 : i32, i32
  }
}

</mosaic_0001>

<sc_bundles>
// kernel: kernel.4.cloned.1.call-start
scs
__scs_entry_jumppad:
0x0: {  	(pc) =	sbr.rel $0x88, $3  }
0x1: {  	(tag) =	ssettag $0x0;
	lr =	simm.s32 $0x1  }
0x2: {  	[smem:$0x3F9C] =	sst lr;
	_ =	strace $0xD0000000  }
0x3: {  	_ = 	snop  }
0x4: {  	_ = 	snop  }
0x5: {  	_ = 	snop  }
0x6: {  	_ = 	snop  }
0x7: {  	_ = 	snop  }
__scs_overlays_trampoline_lowered:
0x8: {  	[smem:$0x3FAB] =	sst s0  }
0x9: {  	[smem:$0x3FAC] =	sst s1  }
0xa: {  	[smem:$0x3FAD] =	sst s2  }
0xb: {  	[smem:$0x3FAE] =	sst s3  }
0xc: {  	[smem:$0x3FAF] =	sst s4  }
0xd: {  	[smem:$0x3FB0] =	sst s5  }
0xe: {  	[smem:$0x3FB1] =	sst s6  }
0xf: {  	[smem:$0x3FB2] =	sst s7  }
0x10: {  	[smem:$0x3FB3] =	sst s8  }
0x11: {  	[smem:$0x3FB4] =	sst s9;
	s0 =	simm.s32 @!p0 $0x0  }
0x12: {  	s1 =	sld [smem:$0x3F9A];
	s0 =	simm.s32 @p0 $0x1  }
0x13: {  	[smem:$0x3FB5] =	sst s0;
	s0 =	simm.s32 @!p1 $0x0  }
0x14: {  	s2 =	sld [smem:$0x3F99];
	s0 =	simm.s32 @p1 $0x1  }
0x15: {  	[smem:$0x3FB6] =	sst s0;
	s0 =	simm.s32 @!p2 $0x0  }
0x16: {  	s3 =	sld [smem:$0x3FDB];
	s0 =	simm.s32 @p2 $0x1  }
0x17: {  	s4 =	simm.s32 $0x1BF5;
	[smem:$0x3FB8] =	sst s0  }
0x18: {  	s0 =	sld [smem:$0x3F9B];
	_ =	swait.ge [sflag:s4], $0x0  }
0x19: {  	s7 =	sld [smem:$0x3F9C]  }
0x1a: {  	s8 =	sadd.s32 $0xFFFFE003, lr  }
0x1b: {  	s9 =	sadd.s32 $0xFFFFFEF7, lr;
	s5 =	simm.s32 $0xFFFFFFFF;
	p2 =	slt.u32 s8, $0xFFFFF086  }
0x1c: {  	p1 =	slt.u32 s9, $0xF7A;
	s5 =	simm.s32 @!p2 $0x0  }
0x1d: {  	s5 =	simm.s32 @p1 $0x1;
	p0 =	seq.s32 s7, s2  }
0x1e: {  	s7 =	smul.u32 @!p0 $0xF7A, s2;
	p2 =	seq.s32 @!p0 s5, $0x0  }
0x1f: {  	s9 =	smul.u32 $0xF7A, s1;
	s8 =	simm.s32 @!p0 $0x1BF5;
	p2 =	por !p2, p0  }
0x20: {  	[sflag:s8] =	ssyncset.s32 @!p0 $0xFFFFF086;
	s6 =	sadd.s32 @!p0 s3, s7;
	s7 =	simm.s32 @!p0 $0x108  }
0x21: {  	s3 =	sadd.s32 s3, s9;
	s6 =	sadd.s32 @!p0 $0x88, s6;
	s7 =	simm.s32 @p2 $0x1082  }
0x22: {  	[simem:s7], [sflag:s8] =	dma.local @!p0 [hbm:s6], $0xF7A  }
0x23: {  	s9 =	sor.u32 $0xD0000000, s2;
	s6 =	simm.s32 $0x108;
	_ =	swait.ge @!p0 [sflag:s8], $0x0  }
0x24: {  	s3 =	sadd.s32 $0x88, s3;
	s6 =	simm.s32 @!p1 $0x1082;
	[sflag:s4] =	ssyncset.s32 $0xFFFFF086  }
0x25: {  	[simem:s6], [sflag:s4] =	dma.local [hbm:s3], $0xF7A  }
0x26: {  	[smem:$0x3F9C] =	sst s1;
	(tag) =	ssettag s2;
	_ =	strace s9  }
0x27: {  	s1 =	sld [smem:$0x3FAC]  }
0x28: {  	s2 =	sld [smem:$0x3FAD]  }
0x29: {  	s4 =	sld [smem:$0x3FAF]  }
0x2a: {  	p0 =	seq.s32 s5, $0x0;
	s5 =	sld [smem:$0x3FB0]  }
0x2b: {  	s6 =	sld [smem:$0x3FB1]  }
0x2c: {  	s7 =	sld [smem:$0x3FB2]  }
0x2d: {  	s3 =	simm.s32 $0x108;
	s8 =	sld [smem:$0x3FB3]  }
0x2e: {  	s3 =	simm.s32 @!p0 $0x1082;
	s9 =	sld [smem:$0x3FB4]  }
0x2f: {  	lr =	sadd.s32 s0, s3;
	s0 =	sld [smem:$0x3FAB]  }
0x30: {  	s3 =	sld [smem:$0x3FAE]  }
0x31: {  	[smem:$0x3FB7] =	sst s10  }
0x32: {  	s10 =	sld [smem:$0x3FB5];
	_ =	sdelay $0x3  }
0x33: {  	p0 =	seq.s32 s10, $0x1;
	s10 =	sld [smem:$0x3FB7];
	_ =	sdelay $0x3  }
0x34: {  	[smem:$0x3FB7] =	sst s10  }
0x35: {  	s10 =	sld [smem:$0x3FB6];
	_ =	sdelay $0x3  }
0x36: {  	p1 =	seq.s32 s10, $0x1;
	s10 =	sld [smem:$0x3FB7];
	_ =	sdelay $0x3  }
0x37: {  	[smem:$0x3FB7] =	sst s10  }
0x38: {  	s10 =	sld [smem:$0x3FB8]  }
0x39: {  	_ = 	snop;
	(pc) =	sbr.ind lr, $3  }
0x3a: {  	_ = 	snop  }
0x3b: {  	_ = 	snop  }
0x3c: {  	p2 =	seq.s32 s10, $0x1;
	s10 =	sld [smem:$0x3FB7]  }
0x3d: {  	_ =	shalt  }
0x3e: {  	_ =	shalt  }
0x3f: {  	_ =	shalt  }
0x40: {  	_ =	shalt  }
0x41: {  	_ =	shalt  }
0x42: {  	_ =	shalt  }
0x43: {  	_ =	shalt  }
0x44: {  	_ =	shalt  }
0x45: {  	_ =	shalt  }
0x46: {  	_ =	shalt  }
0x47: {  	_ =	shalt  }
0x48: {  	_ =	shalt  }
0x49: {  	_ =	shalt  }
0x4a: {  	_ =	shalt  }
0x4b: {  	_ =	shalt  }
0x4c: {  	_ =	shalt  }
0x4d: {  	_ =	shalt  }
0x4e: {  	_ =	shalt  }
0x4f: {  	_ =	shalt  }
0x50: {  	_ =	shalt  }
0x51: {  	_ =	shalt  }
0x52: {  	_ =	shalt  }
0x53: {  	_ =	shalt  }
0x54: {  	_ =	shalt  }
0x55: {  	_ =	shalt  }
0x56: {  	_ =	shalt  }
0x57: {  	_ =	shalt  }
0x58: {  	_ =	shalt  }
0x59: {  	_ =	shalt  }
0x5a: {  	_ =	shalt  }
0x5b: {  	_ =	shalt  }
0x5c: {  	_ =	shalt  }
0x5d: {  	_ =	shalt  }
0x5e: {  	_ =	shalt  }
0x5f: {  	_ =	shalt  }
0x60: {  	_ =	shalt  }
0x61: {  	_ =	shalt  }
0x62: {  	_ =	shalt  }
0x63: {  	_ =	shalt  }
0x64: {  	_ =	shalt  }
0x65: {  	_ =	shalt  }
0x66: {  	_ =	shalt  }
0x67: {  	_ =	shalt  }
0x68: {  	_ =	shalt  }
0x69: {  	_ =	shalt  }
0x6a: {  	_ =	shalt  }
0x6b: {  	_ =	shalt  }
0x6c: {  	_ =	shalt  }
0x6d: {  	_ =	shalt  }
0x6e: {  	_ =	shalt  }
0x6f: {  	_ =	shalt  }
0x70: {  	_ =	shalt  }
0x71: {  	_ =	shalt  }
0x72: {  	_ =	shalt  }
0x73: {  	_ =	shalt  }
0x74: {  	_ =	shalt  }
0x75: {  	_ =	shalt  }
0x76: {  	_ =	shalt  }
0x77: {  	_ =	shalt  }
0x78: {  	_ =	shalt  }
0x79: {  	_ =	shalt  }
0x7a: {  	_ =	shalt  }
0x7b: {  	_ =	shalt  }
0x7c: {  	_ =	shalt  }
0x7d: {  	_ =	shalt  }
0x7e: {  	_ =	shalt  }
0x7f: {  	_ =	shalt  }
0x80: {  	_ =	shalt  }
0x81: {  	_ =	shalt  }
0x82: {  	_ =	shalt  }
0x83: {  	_ =	shalt  }
0x84: {  	_ =	shalt  }
0x85: {  	_ =	shalt  }
0x86: {  	_ =	shalt  }
0x87: {  	_ =	shalt  }
.Lfunc_end0:
.L_simem_size_0:
called_computation_lowered:
.L_overlay_start_0:
0x88: {  	s2 =	sld [smem:$0x3FD9]  }
0x89: {  	s3 =	sld [smem:$0x3FFE];
	_ =	sdelay $0x1  }
0x8a: {  	s1 =	srdreg.scid  }
0x8b: {  	s0 =	sand.u32 $0x1, s1  }
0x8c: {  	s17 =	sshll.u32 s0, $0xA;
	s2 =	sadd.s32 s3, s2  }
0x8d: {  	s2 =	sadd.s32 s2, s17  }
0x8e: {  	[smem:$0x3FC3] =	sst s2  }
0x8f: {  	_ = 	snop  }
0x90: {  	s2 =	sld [smem:$0x3FD0];
	(tm) =	ssettm $0x1  }
0x91: {  	s18 =	sld [smem:$0x3FFB];
	_ =	sdelay $0x3  }
0x92: {  	_ =	strace s18  }
0x93: {  	s3 =	sld [smem:$0x3FFC];
	_ =	sdelay $0x3  }
0x94: {  	_ =	strace s3  }
0x95: {  	s3 =	sld [smem:$0x3FFD];
	_ =	sdelay $0x3  }
0x96: {  	_ =	strace s3  }
0x97: {  	_ =	strace $0x8FFFFFFF  }
0x98: {  	s19 =	sld [smem:$0x3FDB];
	_ =	sdelay $0x1  }
0x99: {  	s4 =	simm.s32 $_scs_section_size  }
0x9a: {  	s5 =	simm.s32 $_size__tile_overlayer_lowered;
	s6 =	simm.s32 $_tile_overlayer_lowered  }
0x9b: {  	s22 =	simm.s32 $0x1BFF;
	s21 =	sshll.u32 s6, $0x1;
	s3 =	sadd.s32 s4, s19  }
0x9c: {  	s7 =	simm.s32 $0x0;
	s20 =	sshll.u32 s5, $0x1;
	s5 =	sadd.s32 s21, s3  }
0x9d: {  	[timem:s7], [sflag:s22] =	dma.local [hbm:s5], s20  }
0x9e: {  	_ =	swait.ge [sflag:s22], s20  }
0x9f: {  	s4 =	ssub.s32 $0x0, s20;
	[sflag:s22] =	ssyncset.done $0x0  }
0xa0: {  	[sflag:s22] =	ssyncadd.s32 s4;
	_ =	sdelay $0x1  }
0xa1: {  	s23 =	simm.s32 $0x1B8B  }
0xa2: {  	_ =	swait.ge [sflag:s23], $0x1  }
0xa3: {  	[sflag:s23] =	ssyncset.done $0x0  }
0xa4: {  	s25 =	simm.s32 $0x1B8E;
	s24 =	sld [smem:$0x3FFE];
	[sflag:s23] =	ssyncadd.s32 $0xFFFFFFFF  }
0xa5: {  	s26 =	simm.s32 $execute0_lowered;
	[smem:$0x3FD2] =	sst s25  }
0xa6: {  	s5 =	sshll.u32 s26, $0x1;
	_ =	strace $0x80000046;
	[dreg:$0x1] =	wrdreg $0xFFFFFFFF  }
0xa7: {  	s28 =	simm.s32 $_size_execute0_lowered;
	s3 =	sadd.s32 s3, s5;
	[dreg:$0x0] =	wrdreg $0x0  }
0xa8: {  	s5 =	sshll.u32 s28, $0x1;
	[dreg:$0x2] =	wrdreg s3  }
0xa9: {  	[dreg:$0x3] =	wrdreg s5  }
0xaa: {  	[dreg:$0x4] =	wrdreg $0xC0  }
0xab: {  	_ =	task [dreg:s7], $0x5FFFF  }
0xac: {  	[dreg:$0x1] =	wrdreg $0xFFFFFFFF  }
0xad: {  	[dreg:$0x0] =	wrdreg $0x60  }
0xae: {  	[dreg:$0x2] =	wrdreg s2  }
0xaf: {  	[dreg:$0x3] =	wrdreg s24  }
0xb0: {  	[dreg:$0x4] =	wrdreg $0x15E00  }
0xb1: {  	[dreg:$0x5] =	wrdreg $0x9  }
0xb2: {  	_ =	task.clear_ibuf [dreg:s7], $0x6FFFF;
	_ =	strace $0x90000046  }
0xb3: {  	s29 =	simm.s32 $0x9;
	_ =	strace $0x80000048  }
0xb4: {  	_ =	swait.ge [sflag:s29], $0x1  }
0xb5: {  	[sflag:s29] =	ssyncadd.s32 $0xFFFFFFFF  }
0xb6: {  	_ =	strace $0x90000048  }
0xb7: {  	_ =	sfence  }
0xb8: {  	s30 =	sld [smem:$0x0];
	_ =	sdelay $0x2  }
0xb9: {  	s31 =	sshll.u32 s1, $0xD;
	s1 =	sshrl.u32 s1, $0x2  }
0xba: {  	s3 =	sand.u32 $0x4000, s31;
	s1 =	sadd.s32 s1, s30  }
0xbb: {  	s0 =	sor.u32 s3, s0;
	s1 =	sshll.u32 s1, $0x11  }
0xbc: {  	s0 =	sor.u32 s1, s0  }
0xbd: {  	s0 =	sadd.s32 $0x8F2B, s0  }
0xbe: {  	[sflag:s0] =	ssyncadd.remote.s32 $0x1  }
0xbf: {  	_ =	sfence.sel $0xFFFF  }
0xc0: {  	[dreg:$0x0] =	wrdreg $0xFFFFFFFF;
	(pc) =	sbr.abs _section_cstart, $3  }
0xc1: {  	[dreg:$0x1] =	wrdreg $0xFFFFFFFF  }
0xc2: {  	_ =	task.clear_ibuf [dreg:s7], $0x2FFFF;
	_ =	strace $0x9FFFFFFF  }
0xc3: {  	(tm) =	ssettm $0x7FFFFFFF  }
tec
execute0_lowered:
.L_overlay_start_1:
0x0: {  	(tag) =	ssettag $0x1  }
0x1: {  	s1 =	rddreg [dreg:$0x0];
	s10 =	stileid.u32  }
0x2: {  	s0 =	srdreg.scid;
	s5 =	rddreg [dreg:$0x1]  }
0x3: {  	s3 =	rddreg [dreg:$0x2];
	s4 =	simm.s32 $0x0;
	s26 =	simm.s32 $0x40  }
0x4: {  	s12 =	simm.s32 $0x90;
	s13 =	simm.s32 $0x1B8;
	s14 =	simm.s32 $0xA0  }
0x5: {  	s15 =	simm.s32 $0xB8;
	s16 =	simm.s32 $0x1E0;
	s17 =	simm.s32 $0xC8  }
0x6: {  	s18 =	simm.s32 $0xE0;
	s19 =	simm.s32 $0x208;
	s20 =	simm.s32 $0xF0  }
0x7: {  	s2 =	smul.u32 $0xC38, s10;
	[smem:$0x7FF] =	sst s4;
	s11 =	sadd.s32 $0x125E00, s5  }
0x8: {  	s6 =	smul.u32 $0x30D4, s10;
	_ =	strace $0x80000047;
	[dreg:$0x19] =	wrdreg s11  }
0x9: {  	s25 =	sshll.u32 s10, $0x6;
	s10 =	simm.s32 $0x68;
	[dreg:$0x6] =	wrdreg s26  }
0xa: {  	s21 =	simm.s32 $0x108;
	s22 =	simm.s32 $0x230;
	[dreg:$0x8] =	wrdreg s10  }
0xb: {  	s28 =	simm.s32 $0x7;
	s30 =	simm.s32 $0x280;
	[dreg:$0xa] =	wrdreg s12  }
0xc: {  	s31 =	simm.s32 $0x168;
	s0 =	sand.u32 $0x1, s0;
	[dreg:$0xb] =	wrdreg s13  }
0xd: {  	s29 =	simm.s32 $0x0;
	s7 =	smul.u32 $0x186A, s0;
	[dreg:$0xc] =	wrdreg s14  }
0xe: {  	s8 =	smul.u32 $0x1E8480, s0;
	s0 =	ssub.s32 $0x2, s0;
	[dreg:$0xd] =	wrdreg s15  }
0xf: {  	s11 =	simm.s32 $0x78;
	s10 =	simm.s32 $0x8;
	[dreg:$0xe] =	wrdreg s16  }
0x10: {  	s12 =	simm.s32 $0x1;
	s13 =	simm.s32 $0x18;
	[dreg:$0xf] =	wrdreg s17  }
0x11: {  	s14 =	simm.s32 $0x320;
	s15 =	simm.s32 $0x10;
	[dreg:$0x10] =	wrdreg s18  }
0x12: {  	s16 =	simm.s32 $0x6E0;
	s17 =	simm.s32 $0x28;
	[dreg:$0x11] =	wrdreg s19  }
0x13: {  	s18 =	simm.s32 $0x960;
	s19 =	simm.s32 $0xD20;
	[dreg:$0x12] =	wrdreg s20  }
0x14: {  	s20 =	simm.s32 $0xFA0;
	[dreg:$0x13] =	wrdreg s21;
	s21 =	simm.s32 $0x1360  }
0x15: {  	[dreg:$0x14] =	wrdreg s22;
	s22 =	simm.s32 $0x2;
	s26 =	simm.s32 $0x140  }
0x16: {  	s2 =	smin.u32 s2, $0xB718;
	s9 =	sshrl.u32 s0, $0x1;
	[dreg:$0x9] =	wrdreg s11  }
0x17: {  	s11 =	simm.s32 $0x190;
	[dreg:$0x18] =	wrdreg s26;
	s26 =	simm.s32 $0x4  }
0x18: {  	s2 =	smul.u32 $0x28, s2;
	s6 =	sadd.s32 s7, s6;
	s0 =	ssub.s32 s0, s9  }
0x19: {  	s9 =	simm.s32 $0x50;
	s24 =	sadd.s32 s6, s5;
	s0 =	smax.u32 s0, $0x1  }
0x1a: {  	[dreg:$0x7] =	wrdreg s9;
	s23 =	sadd.s32 s8, s2;
	s2 =	sadd.s32 s2, s3  }
0x1b: {  	s8 =	sadd.s32 $0xC00, s24;
	[dreg:$0x1c] =	wrdreg s0;
	s24 =	simm.s32 $0x130  }
0x1c: {  	s0 =	simm.s32 $0x2A8;
	s7 =	sshrl.u32 s23, $0x3;
	[dreg:$0x4] =	wrdreg s8  }
0x1d: {  	s8 =	sor.u32 $0x1C08, s25;
	s23 =	simm.s32 $0x118;
	[dreg:$0x16] =	wrdreg s24  }
0x1e: {  	s9 =	sshrl.u32 s2, $0x3;
	s25 =	simm.s32 $0x258;
	[dreg:$0x15] =	wrdreg s23  }
0x1f: {  	s24 =	simm.s32 $0x3;
	s2 =	simm.s32 $0x180;
	[dreg:$0x17] =	wrdreg s25  }
0x20: {  	s7 =	sadd.s32 s7, s5;
	s5 =	sadd.s32 $0x31940, s5;
	[dreg:$0x1a] =	wrdreg s8  }
0x21: {  	s23 =	simm.s32 $0x5;
	[dreg:$0x1d] =	wrdreg s9;
	s5 =	sadd.s32 s5, s6  }
0x22: {  	s25 =	simm.s32 $0x6;
	s7 =	sadd.s32 $0x129C00, s7;
	[dreg:$0x5] =	wrdreg s5  }
0x23: {  	[dreg:$0x1b] =	wrdreg s7;
	s5 =	simm.s32 $0x2D0;
	s7 =	simm.s32 $0x2F8  }
.LBB2_1:
0x24: {  	[dreg:$0x1e] =	wrdreg s29  }
0x25: {  	s6 =	rddreg [dreg:$0x19]  }
0x26: {  	[spmem:s9], [sflag:s8] =	dma.local [hbm:s6], $0x3D18  }
0x27: {  	_ =	swait.ge [sflag:s10], $0x3D18  }
0x28: {  	[sflag:s10] =	ssyncset.done $0x0  }
0x29: {  	[sflag:s10] =	ssyncadd.s32 $0xFFFFC2E8  }
0x2a: {  	[bflag:$0x0] =	sbarrier.arrive $0xFFFF  }
0x2b: {  	s29 =	rddreg [dreg:$0x4]  }
0x2c: {  	s8 =	rddreg [dreg:$0x5];
	s6 =	sadd.s32 $0x0, s29  }
0x2d: {  	[tilespmem:s4], [sflag:$0x1] =	stream.linear.gather [hbm4b:s6+s4], $0x190, $0x38;
	[tilespmem:$0x1FE28] =	vst v63  }
0x2e: {  	s10 =	sadd.s32 $0x0, s8  }
0x2f: {  	[tilespmem:s11], [sflag:$0x1] =	stream.linear.gather [hbm4b:s10+s4], $0x190, $0x38;
	[tilespmem:$0x1FE28] =	vst v63  }
0x30: {  	_ =	swait.ge [sflag:s12], $0x190  }
0x31: {  	[sflag:s12] =	ssyncset.done $0x0  }
0x32: {  	[sflag:s12] =	ssyncadd.s32 $0xFFFFFE70  }
0x33: {  	_ =	swait.ge [sflag:s12], $0x190  }
0x34: {  	[sflag:s12] =	ssyncset.done $0x0  }
0x35: {  	[sflag:s12] =	ssyncadd.s32 $0xFFFFFE70  }
0x36: {  	[tilespmem:s14], [sflag:$0x2] =	stream.indirect.gather [hbm4b:s1+s13], $0x28, s4, s13, $0xb8;
	[tilespmem:$0x1FE28] =	vst v63  }
0x37: {  	_ = 	snop  }
0x38: {  	[tilespmem:s16], [sflag:$0x2] =	stream.indirect.gather [hbm4b:s1+s15], $0x28, s13, s15, $0xb8;
	[tilespmem:$0x1FE28] =	vst v63  }
0x39: {  	_ = 	snop  }
0x3a: {  	[tilespmem:s18], [sflag:$0x3] =	stream.indirect.gather [hbm4b:s1+s13], $0x28, s17, s13, $0xb8;
	[tilespmem:$0x1FE28] =	vst v63  }
0x3b: {  	s29 =	rddreg [dreg:$0x6]  }
0x3c: {  	[tilespmem:s19], [sflag:$0x3] =	stream.indirect.gather [hbm4b:s1+s15], $0x28, s29, s15, $0xb8;
	[tilespmem:$0x1FE28] =	vst v63  }
0x3d: {  	s8 =	rddreg [dreg:$0x7]  }
0x3e: {  	[tilespmem:s20], [sflag:$0x4] =	stream.indirect.gather [hbm4b:s1+s13], $0x28, s8, s13, $0xb8;
	[tilespmem:$0x1FE28] =	vst v63  }
0x3f: {  	s10 =	rddreg [dreg:$0x8]  }
0x40: {  	[tilespmem:s21], [sflag:$0x4] =	stream.indirect.gather [hbm4b:s1+s15], $0x28, s10, s15, $0xb8;
	[tilespmem:$0x1FE28] =	vst v63  }
0x41: {  	_ =	swait.ge [sflag:s22], $0x3C0  }
0x42: {  	[sflag:s22] =	ssyncset.done $0x0  }
0x43: {  	[sflag:s22] =	ssyncadd.s32 $0xFFFFFC40  }
0x44: {  	_ =	swait.ge [sflag:s22], $0x280  }
0x45: {  	[sflag:s22] =	ssyncset.done $0x0  }
0x46: {  	[sflag:s22] =	ssyncadd.s32 $0xFFFFFD80  }
0x47: {  	[spmem:s3] =	stream.indirect.scatter.add.f32 [tilespmem:s14], [sflag:$0x5], $0x28, s11, s17, $0xb8;
	[tilespmem:$0x1FE28] =	vst v63  }
0x48: {  	_ =	swait.ge [sflag:s23], $0x640  }
0x49: {  	[sflag:s23] =	ssyncset.done $0x0  }
0x4a: {  	s29 =	rddreg [dreg:$0x9];
	[sflag:s23] =	ssyncadd.s32 $0xFFFFF9C0  }
0x4b: {  	[tilespmem:s14], [sflag:$0x2] =	stream.indirect.gather [hbm4b:s1+s13], $0x28, s29, s13, $0xb8;
	[tilespmem:$0x1FE28] =	vst v63  }
0x4c: {  	s8 =	rddreg [dreg:$0xa]  }
0x4d: {  	[tilespmem:s16], [sflag:$0x2] =	stream.indirect.gather [hbm4b:s1+s15], $0x28, s8, s15, $0xb8;
	[tilespmem:$0x1FE28] =	vst v63  }
0x4e: {  	_ =	swait.ge [sflag:s24], $0x3C0  }
0x4f: {  	[sflag:s24] =	ssyncset.done $0x0  }
0x50: {  	[sflag:s24] =	ssyncadd.s32 $0xFFFFFC40  }
0x51: {  	_ =	swait.ge [sflag:s24], $0x280  }
0x52: {  	[sflag:s24] =	ssyncset.done $0x0  }
0x53: {  	s10 =	rddreg [dreg:$0xb];
	[sflag:s24] =	ssyncadd.s32 $0xFFFFFD80  }
0x54: {  	[spmem:s3] =	stream.indirect.scatter.add.f32 [tilespmem:s18], [sflag:$0x6], $0x28, s10, s17, $0xb8;
	[tilespmem:$0x1FE28] =	vst v63  }
0x55: {  	_ =	swait.ge [sflag:s25], $0x640  }
0x56: {  	[sflag:s25] =	ssyncset.done $0x0  }
0x57: {  	s29 =	rddreg [dreg:$0xc];
	[sflag:s25] =	ssyncadd.s32 $0xFFFFF9C0  }
0x58: {  	[tilespmem:s18], [sflag:$0x3] =	stream.indirect.gather [hbm4b:s1+s13], $0x28, s29, s13, $0xb8;
	[tilespmem:$0x1FE28] =	vst v63  }
0x59: {  	s8 =	rddreg [dreg:$0xd]  }
0x5a: {  	[tilespmem:s19], [sflag:$0x3] =	stream.indirect.gather [hbm4b:s1+s15], $0x28, s8, s15, $0xb8;
	[tilespmem:$0x1FE28] =	vst v63  }
0x5b: {  	_ =	swait.ge [sflag:s26], $0x3C0  }
0x5c: {  	[sflag:s26] =	ssyncset.done $0x0  }
0x5d: {  	[sflag:s26] =	ssyncadd.s32 $0xFFFFFC40  }
0x5e: {  	_ =	swait.ge [sflag:s26], $0x280  }
0x5f: {  	[sflag:s26] =	ssyncset.done $0x0  }
0x60: {  	s10 =	rddreg [dreg:$0xe];
	[sflag:s26] =	ssyncadd.s32 $0xFFFFFD80  }
0x61: {  	[spmem:s3] =	stream.indirect.scatter.add.f32 [tilespmem:s20], [sflag:$0x7], $0x28, s10, s17, $0xb8;
	[tilespmem:$0x1FE28] =	vst v63  }
0x62: {  	_ =	swait.ge [sflag:s28], $0x640  }
0x63: {  	[sflag:s28] =	ssyncset.done $0x0  }
0x64: {  	s29 =	rddreg [dreg:$0xf];
	[sflag:s28] =	ssyncadd.s32 $0xFFFFF9C0  }
0x65: {  	[tilespmem:s20], [sflag:$0x4] =	stream.indirect.gather [hbm4b:s1+s13], $0x28, s29, s13, $0xb8;
	[tilespmem:$0x1FE28] =	vst v63  }
0x66: {  	s8 =	rddreg [dreg:$0x10]  }
0x67: {  	[tilespmem:s21], [sflag:$0x4] =	stream.indirect.gather [hbm4b:s1+s15], $0x28, s8, s15, $0xb8;
	[tilespmem:$0x1FE28] =	vst v63  }
0x68: {  	_ =	swait.ge [sflag:s22], $0x3C0  }
0x69: {  	[sflag:s22] =	ssyncset.done $0x0  }
0x6a: {  	[sflag:s22] =	ssyncadd.s32 $0xFFFFFC40  }
0x6b: {  	_ =	swait.ge [sflag:s22], $0x280  }
0x6c: {  	[sflag:s22] =	ssyncset.done $0x0  }
0x6d: {  	s10 =	rddreg [dreg:$0x11];
	[sflag:s22] =	ssyncadd.s32 $0xFFFFFD80  }
0x6e: {  	[spmem:s3] =	stream.indirect.scatter.add.f32 [tilespmem:s14], [sflag:$0x5], $0x28, s10, s17, $0xb8;
	[tilespmem:$0x1FE28] =	vst v63  }
0x6f: {  	_ =	swait.ge [sflag:s23], $0x640  }
0x70: {  	[sflag:s23] =	ssyncset.done $0x0  }
0x71: {  	s29 =	rddreg [dreg:$0x12];
	[sflag:s23] =	ssyncadd.s32 $0xFFFFF9C0  }
0x72: {  	[tilespmem:s14], [sflag:$0x2] =	stream.indirect.gather [hbm4b:s1+s13], $0x28, s29, s13, $0xb8;
	[tilespmem:$0x1FE28] =	vst v63  }
0x73: {  	s8 =	rddreg [dreg:$0x13]  }
0x74: {  	[tilespmem:s16], [sflag:$0x2] =	stream.indirect.gather [hbm4b:s1+s15], $0x28, s8, s15, $0xb8;
	[tilespmem:$0x1FE28] =	vst v63  }
0x75: {  	_ =	swait.ge [sflag:s24], $0x3C0  }
0x76: {  	[sflag:s24] =	ssyncset.done $0x0  }
0x77: {  	[sflag:s24] =	ssyncadd.s32 $0xFFFFFC40  }
0x78: {  	_ =	swait.ge [sflag:s24], $0x280  }
0x79: {  	[sflag:s24] =	ssyncset.done $0x0  }
0x7a: {  	s10 =	rddreg [dreg:$0x14];
	[sflag:s24] =	ssyncadd.s32 $0xFFFFFD80  }
0x7b: {  	[spmem:s3] =	stream.indirect.scatter.add.f32 [tilespmem:s18], [sflag:$0x6], $0x28, s10, s17, $0xb8;
	[tilespmem:$0x1FE28] =	vst v63  }
0x7c: {  	_ =	swait.ge [sflag:s25], $0x640  }
0x7d: {  	[sflag:s25] =	ssyncset.done $0x0  }
0x7e: {  	s29 =	rddreg [dreg:$0x15];
	[sflag:s25] =	ssyncadd.s32 $0xFFFFF9C0  }
0x7f: {  	[tilespmem:s18], [sflag:$0x3] =	stream.indirect.gather [hbm4b:s1+s13], $0x28, s29, s13, $0xb8;
	[tilespmem:$0x1FE28] =	vst v63  }
0x80: {  	s8 =	rddreg [dreg:$0x16]  }
0x81: {  	[tilespmem:s19], [sflag:$0x3] =	stream.indirect.gather [hbm4b:s1+s15], $0x28, s8, s15, $0xb8;
	[tilespmem:$0x1FE28] =	vst v63  }
0x82: {  	_ =	swait.ge [sflag:s26], $0x3C0  }
0x83: {  	[sflag:s26] =	ssyncset.done $0x0  }
0x84: {  	[sflag:s26] =	ssyncadd.s32 $0xFFFFFC40  }
0x85: {  	_ =	swait.ge [sflag:s26], $0x280  }
0x86: {  	[sflag:s26] =	ssyncset.done $0x0  }
0x87: {  	s9 =	rddreg [dreg:$0x17];
	[sflag:s26] =	ssyncadd.s32 $0xFFFFFD80  }
0x88: {  	[spmem:s3] =	stream.indirect.scatter.add.f32 [tilespmem:s20], [sflag:$0x7], $0x28, s9, s17, $0xb8;
	[tilespmem:$0x1FE28] =	vst v63  }
0x89: {  	_ =	swait.ge [sflag:s28], $0x640  }
0x8a: {  	[sflag:s28] =	ssyncset.done $0x0  }
0x8b: {  	s10 =	rddreg [dreg:$0x18];
	[sflag:s28] =	ssyncadd.s32 $0xFFFFF9C0  }
0x8c: {  	[tilespmem:s20], [sflag:$0x4] =	stream.indirect.gather [hbm4b:s1+s13], $0x28, s10, s13, $0xb8;
	[tilespmem:$0x1FE28] =	vst v63  }
0x8d: {  	s29 =	simm.s32 $0x158  }
0x8e: {  	[tilespmem:s21], [sflag:$0x4] =	stream.indirect.gather [hbm4b:s1+s15], $0x28, s29, s15, $0xb8;
	[tilespmem:$0x1FE28] =	vst v63  }
0x8f: {  	_ =	swait.ge [sflag:s22], $0x3C0  }
0x90: {  	[sflag:s22] =	ssyncset.done $0x0  }
0x91: {  	[sflag:s22] =	ssyncadd.s32 $0xFFFFFC40  }
0x92: {  	_ =	swait.ge [sflag:s22], $0x280  }
0x93: {  	[sflag:s22] =	ssyncset.done $0x0  }
0x94: {  	[sflag:s22] =	ssyncadd.s32 $0xFFFFFD80  }
0x95: {  	[spmem:s3] =	stream.indirect.scatter.add.f32 [tilespmem:s14], [sflag:$0x5], $0x28, s30, s17, $0xb8;
	[tilespmem:$0x1FE28] =	vst v63  }
0x96: {  	_ =	swait.ge [sflag:s23], $0x640  }
0x97: {  	[sflag:s23] =	ssyncset.done $0x0  }
0x98: {  	[sflag:s23] =	ssyncadd.s32 $0xFFFFF9C0  }
0x99: {  	[tilespmem:s14], [sflag:$0x2] =	stream.indirect.gather [hbm4b:s1+s13], $0x28, s31, s13, $0xb8;
	[tilespmem:$0x1FE28] =	vst v63  }
0x9a: {  	_ = 	snop  }
0x9b: {  	[tilespmem:s16], [sflag:$0x2] =	stream.indirect.gather [hbm4b:s1+s15], $0x28, s2, s15, $0xb8;
	[tilespmem:$0x1FE28] =	vst v63  }
0x9c: {  	_ =	swait.ge [sflag:s24], $0x3C0  }
0x9d: {  	[sflag:s24] =	ssyncset.done $0x0  }
0x9e: {  	[sflag:s24] =	ssyncadd.s32 $0xFFFFFC40  }
0x9f: {  	_ =	swait.ge [sflag:s24], $0x280  }
0xa0: {  	[sflag:s24] =	ssyncset.done $0x0  }
0xa1: {  	[sflag:s24] =	ssyncadd.s32 $0xFFFFFD80  }
0xa2: {  	[spmem:s3] =	stream.indirect.scatter.add.f32 [tilespmem:s18], [sflag:$0x6], $0x28, s0, s17, $0xb8;
	[tilespmem:$0x1FE28] =	vst v63  }
0xa3: {  	_ =	swait.ge [sflag:s26], $0x3C0  }
0xa4: {  	[sflag:s26] =	ssyncset.done $0x0  }
0xa5: {  	[sflag:s26] =	ssyncadd.s32 $0xFFFFFC40  }
0xa6: {  	_ =	swait.ge [sflag:s26], $0x280  }
0xa7: {  	[sflag:s26] =	ssyncset.done $0x0  }
0xa8: {  	[sflag:s26] =	ssyncadd.s32 $0xFFFFFD80  }
0xa9: {  	[spmem:s3] =	stream.indirect.scatter.add.f32 [tilespmem:s20], [sflag:$0x7], $0x28, s5, s17, $0xb8;
	[tilespmem:$0x1FE28] =	vst v63  }
0xaa: {  	_ =	swait.ge [sflag:s22], $0x3C0  }
0xab: {  	[sflag:s22] =	ssyncset.done $0x0  }
0xac: {  	[sflag:s22] =	ssyncadd.s32 $0xFFFFFC40  }
0xad: {  	_ =	swait.ge [sflag:s22], $0x280  }
0xae: {  	[sflag:s22] =	ssyncset.done $0x0  }
0xaf: {  	[sflag:s22] =	ssyncadd.s32 $0xFFFFFD80  }
0xb0: {  	[spmem:s3] =	stream.indirect.scatter.add.f32 [tilespmem:s14], [sflag:$0x5], $0x28, s7, s17, $0xb8;
	[tilespmem:$0x1FE28] =	vst v63  }
0xb1: {  	_ =	swait.ge [sflag:s25], $0x640  }
0xb2: {  	[sflag:s25] =	ssyncset.done $0x0  }
0xb3: {  	[sflag:s25] =	ssyncadd.s32 $0xFFFFF9C0  }
0xb4: {  	_ =	swait.ge [sflag:s28], $0x640  }
0xb5: {  	[sflag:s28] =	ssyncset.done $0x0  }
0xb6: {  	[sflag:s28] =	ssyncadd.s32 $0xFFFFF9C0  }
0xb7: {  	s6 =	simm.s32 $0x32;
	_ =	swait.ge [sflag:s23], $0x640  }
0xb8: {  	s9 =	simm.s32 $0x64;
	s10 =	rddreg [dreg:$0x4];
	[sflag:s23] =	ssyncset.done $0x0  }
.LBB2_2:
0xb9: {  	[sflag:s23] =	ssyncadd.s32 $0xFFFFF9C0;
	s29 =	rddreg [dreg:$0x5];
	s10 =	sadd.s32 s6, s10  }
0xba: {  	[tilespmem:s4], [sflag:$0x1] =	stream.linear.gather [hbm4b:s10+s4], $0x190, $0x38;
	[tilespmem:$0x1FE28] =	vst v63  }
0xbb: {  	s29 =	sadd.s32 s6, s29  }
0xbc: {  	[tilespmem:s11], [sflag:$0x1] =	stream.linear.gather [hbm4b:s29+s4], $0x190, $0x38;
	[tilespmem:$0x1FE28] =	vst v63  }
0xbd: {  	_ =	swait.ge [sflag:s12], $0x190  }
0xbe: {  	[sflag:s12] =	ssyncset.done $0x0  }
0xbf: {  	[sflag:s12] =	ssyncadd.s32 $0xFFFFFE70  }
0xc0: {  	_ =	swait.ge [sflag:s12], $0x190  }
0xc1: {  	[sflag:s12] =	ssyncset.done $0x0  }
0xc2: {  	[sflag:s12] =	ssyncadd.s32 $0xFFFFFE70  }
0xc3: {  	[tilespmem:s14], [sflag:$0x2] =	stream.indirect.gather [hbm4b:s1+s13], $0x28, s4, s13, $0xb8;
	[tilespmem:$0x1FE28] =	vst v63  }
0xc4: {  	_ = 	snop  }
0xc5: {  	[tilespmem:s16], [sflag:$0x2] =	stream.indirect.gather [hbm4b:s1+s15], $0x28, s13, s15, $0xb8;
	[tilespmem:$0x1FE28] =	vst v63  }
0xc6: {  	_ = 	snop  }
0xc7: {  	[tilespmem:s18], [sflag:$0x3] =	stream.indirect.gather [hbm4b:s1+s13], $0x28, s17, s13, $0xb8;
	[tilespmem:$0x1FE28] =	vst v63  }
0xc8: {  	s29 =	rddreg [dreg:$0x6]  }
0xc9: {  	[tilespmem:s19], [sflag:$0x3] =	stream.indirect.gather [hbm4b:s1+s15], $0x28, s29, s15, $0xb8;
	[tilespmem:$0x1FE28] =	vst v63  }
0xca: {  	s10 =	rddreg [dreg:$0x7]  }
0xcb: {  	[tilespmem:s20], [sflag:$0x4] =	stream.indirect.gather [hbm4b:s1+s13], $0x28, s10, s13, $0xb8;
	[tilespmem:$0x1FE28] =	vst v63  }
0xcc: {  	s29 =	rddreg [dreg:$0x8]  }
0xcd: {  	[tilespmem:s21], [sflag:$0x4] =	stream.indirect.gather [hbm4b:s1+s15], $0x28, s29, s15, $0xb8;
	[tilespmem:$0x1FE28] =	vst v63  }
0xce: {  	_ =	swait.ge [sflag:s22], $0x3C0  }
0xcf: {  	[sflag:s22] =	ssyncset.done $0x0  }
0xd0: {  	[sflag:s22] =	ssyncadd.s32 $0xFFFFFC40  }
0xd1: {  	_ =	swait.ge [sflag:s22], $0x280  }
0xd2: {  	[sflag:s22] =	ssyncset.done $0x0  }
0xd3: {  	[sflag:s22] =	ssyncadd.s32 $0xFFFFFD80  }
0xd4: {  	[spmem:s3] =	stream.indirect.scatter.add.f32 [tilespmem:s14], [sflag:$0x5], $0x28, s11, s17, $0xb8;
	[tilespmem:$0x1FE28] =	vst v63  }
0xd5: {  	_ =	swait.ge [sflag:s23], $0x640  }
0xd6: {  	[sflag:s23] =	ssyncset.done $0x0  }
0xd7: {  	s10 =	rddreg [dreg:$0x9];
	[sflag:s23] =	ssyncadd.s32 $0xFFFFF9C0  }
0xd8: {  	[tilespmem:s14], [sflag:$0x2] =	stream.indirect.gather [hbm4b:s1+s13], $0x28, s10, s13, $0xb8;
	[tilespmem:$0x1FE28] =	vst v63  }
0xd9: {  	s29 =	rddreg [dreg:$0xa]  }
0xda: {  	[tilespmem:s16], [sflag:$0x2] =	stream.indirect.gather [hbm4b:s1+s15], $0x28, s29, s15, $0xb8;
	[tilespmem:$0x1FE28] =	vst v63  }
0xdb: {  	_ =	swait.ge [sflag:s24], $0x3C0  }
0xdc: {  	[sflag:s24] =	ssyncset.done $0x0  }
0xdd: {  	[sflag:s24] =	ssyncadd.s32 $0xFFFFFC40  }
0xde: {  	_ =	swait.ge [sflag:s24], $0x280  }
0xdf: {  	[sflag:s24] =	ssyncset.done $0x0  }
0xe0: {  	s29 =	rddreg [dreg:$0xb];
	[sflag:s24] =	ssyncadd.s32 $0xFFFFFD80  }
0xe1: {  	[spmem:s3] =	stream.indirect.scatter.add.f32 [tilespmem:s18], [sflag:$0x6], $0x28, s29, s17, $0xb8;
	[tilespmem:$0x1FE28] =	vst v63  }
0xe2: {  	_ =	swait.ge [sflag:s25], $0x640  }
0xe3: {  	[sflag:s25] =	ssyncset.done $0x0  }
0xe4: {  	s10 =	rddreg [dreg:$0xc];
	[sflag:s25] =	ssyncadd.s32 $0xFFFFF9C0  }
0xe5: {  	[tilespmem:s18], [sflag:$0x3] =	stream.indirect.gather [hbm4b:s1+s13], $0x28, s10, s13, $0xb8;
	[tilespmem:$0x1FE28] =	vst v63  }
0xe6: {  	s29 =	rddreg [dreg:$0xd]  }
0xe7: {  	[tilespmem:s19], [sflag:$0x3] =	stream.indirect.gather [hbm4b:s1+s15], $0x28, s29, s15, $0xb8;
	[tilespmem:$0x1FE28] =	vst v63  }
0xe8: {  	_ =	swait.ge [sflag:s26], $0x3C0  }
0xe9: {  	[sflag:s26] =	ssyncset.done $0x0  }
0xea: {  	[sflag:s26] =	ssyncadd.s32 $0xFFFFFC40  }
0xeb: {  	_ =	swait.ge [sflag:s26], $0x280  }
0xec: {  	[sflag:s26] =	ssyncset.done $0x0  }
0xed: {  	s29 =	rddreg [dreg:$0xe];
	[sflag:s26] =	ssyncadd.s32 $0xFFFFFD80  }
0xee: {  	[spmem:s3] =	stream.indirect.scatter.add.f32 [tilespmem:s20], [sflag:$0x7], $0x28, s29, s17, $0xb8;
	[tilespmem:$0x1FE28] =	vst v63  }
0xef: {  	_ =	swait.ge [sflag:s28], $0x640  }
0xf0: {  	[sflag:s28] =	ssyncset.done $0x0  }
0xf1: {  	s10 =	rddreg [dreg:$0xf];
	[sflag:s28] =	ssyncadd.s32 $0xFFFFF9C0  }
0xf2: {  	[tilespmem:s20], [sflag:$0x4] =	stream.indirect.gather [hbm4b:s1+s13], $0x28, s10, s13, $0xb8;
	[tilespmem:$0x1FE28] =	vst v63  }
0xf3: {  	s29 =	rddreg [dreg:$0x10]  }
0xf4: {  	[tilespmem:s21], [sflag:$0x4] =	stream.indirect.gather [hbm4b:s1+s15], $0x28, s29, s15, $0xb8;
	[tilespmem:$0x1FE28] =	vst v63  }
0xf5: {  	_ =	swait.ge [sflag:s22], $0x3C0  }
0xf6: {  	[sflag:s22] =	ssyncset.done $0x0  }
0xf7: {  	[sflag:s22] =	ssyncadd.s32 $0xFFFFFC40  }
0xf8: {  	_ =	swait.ge [sflag:s22], $0x280  }
0xf9: {  	[sflag:s22] =	ssyncset.done $0x0  }
0xfa: {  	s29 =	rddreg [dreg:$0x11];
	[sflag:s22] =	ssyncadd.s32 $0xFFFFFD80  }
0xfb: {  	[spmem:s3] =	stream.indirect.scatter.add.f32 [tilespmem:s14], [sflag:$0x5], $0x28, s29, s17, $0xb8;
	[tilespmem:$0x1FE28] =	vst v63  }
0xfc: {  	_ =	swait.ge [sflag:s23], $0x640  }
0xfd: {  	[sflag:s23] =	ssyncset.done $0x0  }
0xfe: {  	s10 =	rddreg [dreg:$0x12];
	[sflag:s23] =	ssyncadd.s32 $0xFFFFF9C0  }
0xff: {  	[tilespmem:s14], [sflag:$0x2] =	stream.indirect.gather [hbm4b:s1+s13], $0x28, s10, s13, $0xb8;
	[tilespmem:$0x1FE28] =	vst v63  }
0x100: {  	s29 =	rddreg [dreg:$0x13]  }
0x101: {  	[tilespmem:s16], [sflag:$0x2] =	stream.indirect.gather [hbm4b:s1+s15], $0x28, s29, s15, $0xb8;
	[tilespmem:$0x1FE28] =	vst v63  }
0x102: {  	_ =	swait.ge [sflag:s24], $0x3C0  }
0x103: {  	[sflag:s24] =	ssyncset.done $0x0  }
0x104: {  	[sflag:s24] =	ssyncadd.s32 $0xFFFFFC40  }
0x105: {  	_ =	swait.ge [sflag:s24], $0x280  }
0x106: {  	[sflag:s24] =	ssyncset.done $0x0  }
0x107: {  	s29 =	rddreg [dreg:$0x14];
	[sflag:s24] =	ssyncadd.s32 $0xFFFFFD80  }
0x108: {  	[spmem:s3] =	stream.indirect.scatter.add.f32 [tilespmem:s18], [sflag:$0x6], $0x28, s29, s17, $0xb8;
	[tilespmem:$0x1FE28] =	vst v63  }
0x109: {  	_ =	swait.ge [sflag:s25], $0x640  }
0x10a: {  	[sflag:s25] =	ssyncset.done $0x0  }
0x10b: {  	s10 =	rddreg [dreg:$0x15];
	[sflag:s25] =	ssyncadd.s32 $0xFFFFF9C0  }
0x10c: {  	[tilespmem:s18], [sflag:$0x3] =	stream.indirect.gather [hbm4b:s1+s13], $0x28, s10, s13, $0xb8;
	[tilespmem:$0x1FE28] =	vst v63  }
0x10d: {  	s29 =	rddreg [dreg:$0x16]  }
0x10e: {  	[tilespmem:s19], [sflag:$0x3] =	stream.indirect.gather [hbm4b:s1+s15], $0x28, s29, s15, $0xb8;
	[tilespmem:$0x1FE28] =	vst v63  }
0x10f: {  	_ =	swait.ge [sflag:s26], $0x3C0  }
0x110: {  	[sflag:s26] =	ssyncset.done $0x0  }
0x111: {  	[sflag:s26] =	ssyncadd.s32 $0xFFFFFC40  }
0x112: {  	_ =	swait.ge [sflag:s26], $0x280  }
0x113: {  	[sflag:s26] =	ssyncset.done $0x0  }
0x114: {  	s29 =	rddreg [dreg:$0x17];
	[sflag:s26] =	ssyncadd.s32 $0xFFFFFD80  }
0x115: {  	[spmem:s3] =	stream.indirect.scatter.add.f32 [tilespmem:s20], [sflag:$0x7], $0x28, s29, s17, $0xb8;
	[tilespmem:$0x1FE28] =	vst v63  }
0x116: {  	_ =	swait.ge [sflag:s28], $0x640  }
0x117: {  	[sflag:s28] =	ssyncset.done $0x0  }
0x118: {  	s10 =	rddreg [dreg:$0x18];
	[sflag:s28] =	ssyncadd.s32 $0xFFFFF9C0  }
0x119: {  	[tilespmem:s20], [sflag:$0x4] =	stream.indirect.gather [hbm4b:s1+s13], $0x28, s10, s13, $0xb8;
	[tilespmem:$0x1FE28] =	vst v63  }
0x11a: {  	s29 =	simm.s32 $0x158  }
0x11b: {  	[tilespmem:s21], [sflag:$0x4] =	stream.indirect.gather [hbm4b:s1+s15], $0x28, s29, s15, $0xb8;
	[tilespmem:$0x1FE28] =	vst v63  }
0x11c: {  	_ =	swait.ge [sflag:s22], $0x3C0  }
0x11d: {  	[sflag:s22] =	ssyncset.done $0x0  }
0x11e: {  	[sflag:s22] =	ssyncadd.s32 $0xFFFFFC40  }
0x11f: {  	_ =	swait.ge [sflag:s22], $0x280  }
0x120: {  	[sflag:s22] =	ssyncset.done $0x0  }
0x121: {  	[sflag:s22] =	ssyncadd.s32 $0xFFFFFD80  }
0x122: {  	[spmem:s3] =	stream.indirect.scatter.add.f32 [tilespmem:s14], [sflag:$0x5], $0x28, s30, s17, $0xb8;
	[tilespmem:$0x1FE28] =	vst v63  }
0x123: {  	_ =	swait.ge [sflag:s23], $0x640  }
0x124: {  	[sflag:s23] =	ssyncset.done $0x0  }
0x125: {  	[sflag:s23] =	ssyncadd.s32 $0xFFFFF9C0  }
0x126: {  	[tilespmem:s14], [sflag:$0x2] =	stream.indirect.gather [hbm4b:s1+s13], $0x28, s31, s13, $0xb8;
	[tilespmem:$0x1FE28] =	vst v63  }
0x127: {  	_ = 	snop  }
0x128: {  	[tilespmem:s16], [sflag:$0x2] =	stream.indirect.gather [hbm4b:s1+s15], $0x28, s2, s15, $0xb8;
	[tilespmem:$0x1FE28] =	vst v63  }
0x129: {  	_ =	swait.ge [sflag:s24], $0x3C0  }
0x12a: {  	[sflag:s24] =	ssyncset.done $0x0  }
0x12b: {  	[sflag:s24] =	ssyncadd.s32 $0xFFFFFC40  }
0x12c: {  	_ =	swait.ge [sflag:s24], $0x280  }
0x12d: {  	[sflag:s24] =	ssyncset.done $0x0  }
0x12e: {  	[sflag:s24] =	ssyncadd.s32 $0xFFFFFD80  }
0x12f: {  	[spmem:s3] =	stream.indirect.scatter.add.f32 [tilespmem:s18], [sflag:$0x6], $0x28, s0, s17, $0xb8;
	[tilespmem:$0x1FE28] =	vst v63  }
0x130: {  	_ =	swait.ge [sflag:s26], $0x3C0  }
0x131: {  	[sflag:s26] =	ssyncset.done $0x0  }
0x132: {  	[sflag:s26] =	ssyncadd.s32 $0xFFFFFC40  }
0x133: {  	_ =	swait.ge [sflag:s26], $0x280  }
0x134: {  	[sflag:s26] =	ssyncset.done $0x0  }
0x135: {  	[sflag:s26] =	ssyncadd.s32 $0xFFFFFD80  }
0x136: {  	[spmem:s3] =	stream.indirect.scatter.add.f32 [tilespmem:s20], [sflag:$0x7], $0x28, s5, s17, $0xb8;
	[tilespmem:$0x1FE28] =	vst v63  }
0x137: {  	_ =	swait.ge [sflag:s22], $0x3C0  }
0x138: {  	[sflag:s22] =	ssyncset.done $0x0  }
0x139: {  	[sflag:s22] =	ssyncadd.s32 $0xFFFFFC40  }
0x13a: {  	_ =	swait.ge [sflag:s22], $0x280  }
0x13b: {  	[sflag:s22] =	ssyncset.done $0x0  }
0x13c: {  	[sflag:s22] =	ssyncadd.s32 $0xFFFFFD80  }
0x13d: {  	[spmem:s3] =	stream.indirect.scatter.add.f32 [tilespmem:s14], [sflag:$0x5], $0x28, s7, s17, $0xb8;
	[tilespmem:$0x1FE28] =	vst v63  }
0x13e: {  	_ =	swait.ge [sflag:s25], $0x640  }
0x13f: {  	[sflag:s25] =	ssyncset.done $0x0  }
0x140: {  	p0 =	sne.s32 s9, $0x1838;
	[sflag:s25] =	ssyncadd.s32 $0xFFFFF9C0  }
.Ltmp0:
0x141: {  	_ =	swait.ge [sflag:s28], $0x640;
	(pc) =	sbr.rel @p0 .LBB2_2-.Ltmp0, $4  }
0x142: {  	[sflag:s28] =	ssyncset.done $0x0  }
0x143: {  	[sflag:s28] =	ssyncadd.s32 $0xFFFFF9C0  }
0x144: {  	s8 =	smov.u32 s9;
	s9 =	sadd.s32 $0x32, s9;
	_ =	swait.ge [sflag:s23], $0x640  }
0x145: {  	s6 =	smov.u32 s8;
	s10 =	rddreg [dreg:$0x4];
	[sflag:s23] =	ssyncset.done $0x0  }
0x146: {  	s8 =	rddreg [dreg:$0x5];
	[sflag:s23] =	ssyncadd.s32 $0xFFFFF9C0;
	s9 =	sadd.s32 s6, s10  }
0x147: {  	[tilespmem:s4], [sflag:$0x1] =	stream.linear.gather [hbm4b:s9+s4], $0x190, $0x38;
	[tilespmem:$0x1FE28] =	vst v63  }
0x148: {  	s10 =	sadd.s32 s6, s8  }
0x149: {  	[tilespmem:s11], [sflag:$0x1] =	stream.linear.gather [hbm4b:s10+s4], $0x190, $0x38;
	[tilespmem:$0x1FE28] =	vst v63  }
0x14a: {  	_ =	swait.ge [sflag:s12], $0x190  }
0x14b: {  	[sflag:s12] =	ssyncset.done $0x0  }
0x14c: {  	[sflag:s12] =	ssyncadd.s32 $0xFFFFFE70  }
0x14d: {  	_ =	swait.ge [sflag:s12], $0x190  }
0x14e: {  	[sflag:s12] =	ssyncset.done $0x0  }
0x14f: {  	[sflag:s12] =	ssyncadd.s32 $0xFFFFFE70  }
0x150: {  	[tilespmem:s14], [sflag:$0x2] =	stream.indirect.gather [hbm4b:s1+s13], $0x28, s4, s13, $0xb8;
	[tilespmem:$0x1FE28] =	vst v63  }
0x151: {  	_ = 	snop  }
0x152: {  	[tilespmem:s16], [sflag:$0x2] =	stream.indirect.gather [hbm4b:s1+s15], $0x28, s13, s15, $0xb8;
	[tilespmem:$0x1FE28] =	vst v63  }
0x153: {  	_ = 	snop  }
0x154: {  	[tilespmem:s18], [sflag:$0x3] =	stream.indirect.gather [hbm4b:s1+s13], $0x28, s17, s13, $0xb8;
	[tilespmem:$0x1FE28] =	vst v63  }
0x155: {  	s8 =	rddreg [dreg:$0x6]  }
0x156: {  	[tilespmem:s19], [sflag:$0x3] =	stream.indirect.gather [hbm4b:s1+s15], $0x28, s8, s15, $0xb8;
	[tilespmem:$0x1FE28] =	vst v63  }
0x157: {  	s9 =	rddreg [dreg:$0x7]  }
0x158: {  	[tilespmem:s20], [sflag:$0x4] =	stream.indirect.gather [hbm4b:s1+s13], $0x28, s9, s13, $0xb8;
	[tilespmem:$0x1FE28] =	vst v63  }
0x159: {  	s10 =	rddreg [dreg:$0x8]  }
0x15a: {  	[tilespmem:s21], [sflag:$0x4] =	stream.indirect.gather [hbm4b:s1+s15], $0x28, s10, s15, $0xb8;
	[tilespmem:$0x1FE28] =	vst v63  }
0x15b: {  	_ =	swait.ge [sflag:s22], $0x3C0  }
0x15c: {  	[sflag:s22] =	ssyncset.done $0x0  }
0x15d: {  	[sflag:s22] =	ssyncadd.s32 $0xFFFFFC40  }
0x15e: {  	_ =	swait.ge [sflag:s22], $0x280  }
0x15f: {  	[sflag:s22] =	ssyncset.done $0x0  }
0x160: {  	[sflag:s22] =	ssyncadd.s32 $0xFFFFFD80  }
0x161: {  	[spmem:s3] =	stream.indirect.scatter.add.f32 [tilespmem:s14], [sflag:$0x5], $0x28, s11, s17, $0xb8;
	[tilespmem:$0x1FE28] =	vst v63  }
0x162: {  	_ =	swait.ge [sflag:s23], $0x640  }
0x163: {  	[sflag:s23] =	ssyncset.done $0x0  }
0x164: {  	s8 =	rddreg [dreg:$0x9];
	[sflag:s23] =	ssyncadd.s32 $0xFFFFF9C0  }
0x165: {  	[tilespmem:s14], [sflag:$0x2] =	stream.indirect.gather [hbm4b:s1+s13], $0x28, s8, s13, $0xb8;
	[tilespmem:$0x1FE28] =	vst v63  }
0x166: {  	s9 =	rddreg [dreg:$0xa]  }
0x167: {  	[tilespmem:s16], [sflag:$0x2] =	stream.indirect.gather [hbm4b:s1+s15], $0x28, s9, s15, $0xb8;
	[tilespmem:$0x1FE28] =	vst v63  }
0x168: {  	_ =	swait.ge [sflag:s24], $0x3C0  }
0x169: {  	[sflag:s24] =	ssyncset.done $0x0  }
0x16a: {  	[sflag:s24] =	ssyncadd.s32 $0xFFFFFC40  }
0x16b: {  	_ =	swait.ge [sflag:s24], $0x280  }
0x16c: {  	[sflag:s24] =	ssyncset.done $0x0  }
0x16d: {  	s10 =	rddreg [dreg:$0xb];
	[sflag:s24] =	ssyncadd.s32 $0xFFFFFD80  }
0x16e: {  	[spmem:s3] =	stream.indirect.scatter.add.f32 [tilespmem:s18], [sflag:$0x6], $0x28, s10, s17, $0xb8;
	[tilespmem:$0x1FE28] =	vst v63  }
0x16f: {  	_ =	swait.ge [sflag:s25], $0x640  }
0x170: {  	[sflag:s25] =	ssyncset.done $0x0  }
0x171: {  	s8 =	rddreg [dreg:$0xc];
	[sflag:s25] =	ssyncadd.s32 $0xFFFFF9C0  }
0x172: {  	[tilespmem:s18], [sflag:$0x3] =	stream.indirect.gather [hbm4b:s1+s13], $0x28, s8, s13, $0xb8;
	[tilespmem:$0x1FE28] =	vst v63  }
0x173: {  	s9 =	rddreg [dreg:$0xd]  }
0x174: {  	[tilespmem:s19], [sflag:$0x3] =	stream.indirect.gather [hbm4b:s1+s15], $0x28, s9, s15, $0xb8;
	[tilespmem:$0x1FE28] =	vst v63  }
0x175: {  	_ =	swait.ge [sflag:s26], $0x3C0  }
0x176: {  	[sflag:s26] =	ssyncset.done $0x0  }
0x177: {  	[sflag:s26] =	ssyncadd.s32 $0xFFFFFC40  }
0x178: {  	_ =	swait.ge [sflag:s26], $0x280  }
0x179: {  	[sflag:s26] =	ssyncset.done $0x0  }
0x17a: {  	s10 =	rddreg [dreg:$0xe];
	[sflag:s26] =	ssyncadd.s32 $0xFFFFFD80  }
0x17b: {  	[spmem:s3] =	stream.indirect.scatter.add.f32 [tilespmem:s20], [sflag:$0x7], $0x28, s10, s17, $0xb8;
	[tilespmem:$0x1FE28] =	vst v63  }
0x17c: {  	_ =	swait.ge [sflag:s28], $0x640  }
0x17d: {  	[sflag:s28] =	ssyncset.done $0x0  }
0x17e: {  	s8 =	rddreg [dreg:$0xf];
	[sflag:s28] =	ssyncadd.s32 $0xFFFFF9C0  }
0x17f: {  	[tilespmem:s20], [sflag:$0x4] =	stream.indirect.gather [hbm4b:s1+s13], $0x28, s8, s13, $0xb8;
	[tilespmem:$0x1FE28] =	vst v63  }
0x180: {  	s9 =	rddreg [dreg:$0x10]  }
0x181: {  	[tilespmem:s21], [sflag:$0x4] =	stream.indirect.gather [hbm4b:s1+s15], $0x28, s9, s15, $0xb8;
	[tilespmem:$0x1FE28] =	vst v63  }
0x182: {  	_ =	swait.ge [sflag:s22], $0x3C0  }
0x183: {  	[sflag:s22] =	ssyncset.done $0x0  }
0x184: {  	[sflag:s22] =	ssyncadd.s32 $0xFFFFFC40  }
0x185: {  	_ =	swait.ge [sflag:s22], $0x280  }
0x186: {  	[sflag:s22] =	ssyncset.done $0x0  }
0x187: {  	s10 =	rddreg [dreg:$0x11];
	[sflag:s22] =	ssyncadd.s32 $0xFFFFFD80  }
0x188: {  	[spmem:s3] =	stream.indirect.scatter.add.f32 [tilespmem:s14], [sflag:$0x5], $0x28, s10, s17, $0xb8;
	[tilespmem:$0x1FE28] =	vst v63  }
0x189: {  	_ =	swait.ge [sflag:s23], $0x640  }
0x18a: {  	[sflag:s23] =	ssyncset.done $0x0  }
0x18b: {  	s8 =	rddreg [dreg:$0x12];
	[sflag:s23] =	ssyncadd.s32 $0xFFFFF9C0  }
0x18c: {  	[tilespmem:s14], [sflag:$0x2] =	stream.indirect.gather [hbm4b:s1+s13], $0x28, s8, s13, $0xb8;
	[tilespmem:$0x1FE28] =	vst v63  }
0x18d: {  	s9 =	rddreg [dreg:$0x13]  }
0x18e: {  	[tilespmem:s16], [sflag:$0x2] =	stream.indirect.gather [hbm4b:s1+s15], $0x28, s9, s15, $0xb8;
	[tilespmem:$0x1FE28] =	vst v63  }
0x18f: {  	_ =	swait.ge [sflag:s24], $0x3C0  }
0x190: {  	[sflag:s24] =	ssyncset.done $0x0  }
0x191: {  	[sflag:s24] =	ssyncadd.s32 $0xFFFFFC40  }
0x192: {  	_ =	swait.ge [sflag:s24], $0x280  }
0x193: {  	[sflag:s24] =	ssyncset.done $0x0  }
0x194: {  	s10 =	rddreg [dreg:$0x14];
	[sflag:s24] =	ssyncadd.s32 $0xFFFFFD80  }
0x195: {  	[spmem:s3] =	stream.indirect.scatter.add.f32 [tilespmem:s18], [sflag:$0x6], $0x28, s10, s17, $0xb8;
	[tilespmem:$0x1FE28] =	vst v63  }
0x196: {  	_ =	swait.ge [sflag:s25], $0x640  }
0x197: {  	[sflag:s25] =	ssyncset.done $0x0  }
0x198: {  	s8 =	rddreg [dreg:$0x15];
	[sflag:s25] =	ssyncadd.s32 $0xFFFFF9C0  }
0x199: {  	[tilespmem:s18], [sflag:$0x3] =	stream.indirect.gather [hbm4b:s1+s13], $0x28, s8, s13, $0xb8;
	[tilespmem:$0x1FE28] =	vst v63  }
0x19a: {  	s9 =	rddreg [dreg:$0x16]  }
0x19b: {  	[tilespmem:s19], [sflag:$0x3] =	stream.indirect.gather [hbm4b:s1+s15], $0x28, s9, s15, $0xb8;
	[tilespmem:$0x1FE28] =	vst v63  }
0x19c: {  	_ =	swait.ge [sflag:s26], $0x3C0  }
0x19d: {  	[sflag:s26] =	ssyncset.done $0x0  }
0x19e: {  	[sflag:s26] =	ssyncadd.s32 $0xFFFFFC40  }
0x19f: {  	_ =	swait.ge [sflag:s26], $0x280  }
0x1a0: {  	[sflag:s26] =	ssyncset.done $0x0  }
0x1a1: {  	s10 =	rddreg [dreg:$0x17];
	[sflag:s26] =	ssyncadd.s32 $0xFFFFFD80  }
0x1a2: {  	[spmem:s3] =	stream.indirect.scatter.add.f32 [tilespmem:s20], [sflag:$0x7], $0x28, s10, s17, $0xb8;
	[tilespmem:$0x1FE28] =	vst v63  }
0x1a3: {  	_ =	swait.ge [sflag:s28], $0x640  }
0x1a4: {  	[sflag:s28] =	ssyncset.done $0x0  }
0x1a5: {  	s8 =	rddreg [dreg:$0x18];
	[sflag:s28] =	ssyncadd.s32 $0xFFFFF9C0  }
0x1a6: {  	[tilespmem:s20], [sflag:$0x4] =	stream.indirect.gather [hbm4b:s1+s13], $0x28, s8, s13, $0xb8;
	[tilespmem:$0x1FE28] =	vst v63  }
0x1a7: {  	s9 =	simm.s32 $0x158  }
0x1a8: {  	[tilespmem:s21], [sflag:$0x4] =	stream.indirect.gather [hbm4b:s1+s15], $0x28, s9, s15, $0xb8;
	[tilespmem:$0x1FE28] =	vst v63  }
0x1a9: {  	_ =	swait.ge [sflag:s22], $0x3C0  }
0x1aa: {  	[sflag:s22] =	ssyncset.done $0x0  }
0x1ab: {  	[sflag:s22] =	ssyncadd.s32 $0xFFFFFC40  }
0x1ac: {  	_ =	swait.ge [sflag:s22], $0x280  }
0x1ad: {  	[sflag:s22] =	ssyncset.done $0x0  }
0x1ae: {  	[sflag:s22] =	ssyncadd.s32 $0xFFFFFD80  }
0x1af: {  	[spmem:s3] =	stream.indirect.scatter.add.f32 [tilespmem:s14], [sflag:$0x5], $0x28, s30, s17, $0xb8;
	[tilespmem:$0x1FE28] =	vst v63  }
0x1b0: {  	_ =	swait.ge [sflag:s23], $0x640  }
0x1b1: {  	[sflag:s23] =	ssyncset.done $0x0  }
0x1b2: {  	[sflag:s23] =	ssyncadd.s32 $0xFFFFF9C0  }
0x1b3: {  	[tilespmem:s14], [sflag:$0x2] =	stream.indirect.gather [hbm4b:s1+s13], $0x28, s31, s13, $0xb8;
	[tilespmem:$0x1FE28] =	vst v63  }
0x1b4: {  	_ = 	snop  }
0x1b5: {  	[tilespmem:s16], [sflag:$0x2] =	stream.indirect.gather [hbm4b:s1+s15], $0x28, s2, s15, $0xb8;
	[tilespmem:$0x1FE28] =	vst v63  }
0x1b6: {  	_ =	swait.ge [sflag:s24], $0x3C0  }
0x1b7: {  	[sflag:s24] =	ssyncset.done $0x0  }
0x1b8: {  	[sflag:s24] =	ssyncadd.s32 $0xFFFFFC40  }
0x1b9: {  	_ =	swait.ge [sflag:s24], $0x280  }
0x1ba: {  	[sflag:s24] =	ssyncset.done $0x0  }
0x1bb: {  	[sflag:s24] =	ssyncadd.s32 $0xFFFFFD80  }
0x1bc: {  	[spmem:s3] =	stream.indirect.scatter.add.f32 [tilespmem:s18], [sflag:$0x6], $0x28, s0, s17, $0xb8;
	[tilespmem:$0x1FE28] =	vst v63  }
0x1bd: {  	_ =	swait.ge [sflag:s26], $0x3C0  }
0x1be: {  	[sflag:s26] =	ssyncset.done $0x0  }
0x1bf: {  	[sflag:s26] =	ssyncadd.s32 $0xFFFFFC40  }
0x1c0: {  	_ =	swait.ge [sflag:s26], $0x280  }
0x1c1: {  	[sflag:s26] =	ssyncset.done $0x0  }
0x1c2: {  	[sflag:s26] =	ssyncadd.s32 $0xFFFFFD80  }
0x1c3: {  	[spmem:s3] =	stream.indirect.scatter.add.f32 [tilespmem:s20], [sflag:$0x7], $0x28, s5, s17, $0xb8;
	[tilespmem:$0x1FE28] =	vst v63  }
0x1c4: {  	_ =	swait.ge [sflag:s22], $0x3C0  }
0x1c5: {  	[sflag:s22] =	ssyncset.done $0x0  }
0x1c6: {  	[sflag:s22] =	ssyncadd.s32 $0xFFFFFC40  }
0x1c7: {  	_ =	swait.ge [sflag:s22], $0x280  }
0x1c8: {  	[sflag:s22] =	ssyncset.done $0x0  }
0x1c9: {  	[sflag:s22] =	ssyncadd.s32 $0xFFFFFD80  }
0x1ca: {  	[spmem:s3] =	stream.indirect.scatter.add.f32 [tilespmem:s14], [sflag:$0x5], $0x28, s7, s17, $0xb8;
	[tilespmem:$0x1FE28] =	vst v63  }
0x1cb: {  	_ =	swait.ge [sflag:s25], $0x640  }
0x1cc: {  	[sflag:s25] =	ssyncset.done $0x0  }
0x1cd: {  	[sflag:s25] =	ssyncadd.s32 $0xFFFFF9C0  }
0x1ce: {  	_ =	swait.ge [sflag:s28], $0x640  }
0x1cf: {  	[sflag:s28] =	ssyncset.done $0x0  }
0x1d0: {  	[sflag:s28] =	ssyncadd.s32 $0xFFFFF9C0  }
0x1d1: {  	_ =	swait.ge [sflag:s23], $0x640  }
0x1d2: {  	[sflag:s23] =	ssyncset.done $0x0  }
0x1d3: {  	[sflag:s23] =	ssyncadd.s32 $0xFFFFF9C0  }
0x1d4: {  	[bflag:$0x0] =	sbarrier.arrive $0xFFFF  }
0x1d5: {  	s8 =	rddreg [dreg:$0x1a]  }
0x1d6: {  	s10 =	rddreg [dreg:$0x1b]  }
0x1d7: {  	s9 =	rddreg [dreg:$0x1d]  }
0x1d8: {  	[hbm:s10], [sflag:s8] =	dma.local [spmem:s9], $0x3D18  }
0x1d9: {  	s10 =	simm.s32 $0x8  }
0x1da: {  	_ =	swait.ge [sflag:s10], $0x3D18  }
0x1db: {  	s29 =	rddreg [dreg:$0x1e]  }
0x1dc: {  	s6 =	rddreg [dreg:$0x1c];
	s29 =	sadd.s32 $0x1, s29  }
0x1dd: {  	p0 =	sne.s32 s29, s6  }
.Ltmp1:
0x1de: {  	_ = 	snop;
	(pc) =	sbr.rel @p0 .LBB2_1-.Ltmp1, $3  }
0x1df: {  	_ =	sdelay $0x1  }
0x1e0: {  	[sflag:s10] =	ssyncset.done $0x0  }
0x1e1: {  	[sflag:s10] =	ssyncadd.s32 $0xFFFFC2E8  }
0x1e2: {  	_ =	sfence.sel $0x180000  }
0x1e3: {  	[bflag:$0x0] =	sbarrier.arrive $0xFFFF  }
0x1e4: {  	_ =	strace $0x90000047  }
0x1e5: {  	s0 =	stileid.u32;
	[bflag:$0x2] =	sbarrier.arrive $0xFFFF  }
0x1e6: {  	p0 =	sne.s32 s0, $0x0;
	s0 =	rddreg [dreg:$0x3]  }
0x1e7: {  	s0 =	sadd.s32 @!p0 $0x100000, s0  }
0x1e8: {  	[sflag:s0] =	ssyncadd.tile.s32 @!p0 $0x1;
	_ =	shalt  }
.Lfunc_end2:
_tile_overlayer_lowered:
.L_overlay_start_2:
0x1e9: {  	(tag) =	ssettag $0x2  }
0x1ea: {  	s0 =	rddreg [dreg:$0x0];
	s2 =	stileid.u32  }
0x1eb: {  	s1 =	rddreg [dreg:$0x1];
	p0 =	sne.s32 s2, $0x0  }
0x1ec: {  	s3 =	rddreg [dreg:$0x2];
	[bflag:$0x3] =	sbarrier.arrive $0xFFFF;
	s2 =	simm.s32 @!p0 $0x1C08  }
0x1ed: {  	[timem:s3], [sflag:s2] =	dma.local @!p0 [hbm:s0], s1  }
0x1ee: {  	s0 =	simm.s32 @!p0 $0x8  }
0x1ef: {  	_ =	swait.ge @!p0 [sflag:s0], s1  }
0x1f0: {  	s1 =	ssub.s32 @!p0 $0x0, s1;
	[sflag:s0] =	ssyncset.done @!p0 $0x0  }
0x1f1: {  	[sflag:s0] =	ssyncadd.s32 @!p0 s1  }
0x1f2: {  	[bflag:$0x3] =	sbarrier.arrive $0xFFFF  }
0x1f3: {  	_ =	shalt  }

</sc_bundles>
